<compile_context>
chip_gen: v7x
topology: tpu7x:2x2x1
jax: 0.10.2.dev20260603
libtpu: 0.0.44.dev20260713+nightly
codegen_flags: <defaults>
</compile_context>

<pallas_src>
import functools

import jax
import jax.numpy as jnp
from jax import lax
from jax.experimental import pallas as pl
from jax.experimental.pallas import tpu as pltpu
from jax.experimental.pallas import tpu_sc as plsc

EMB_DIM = 128
LANES = 16
N_CORES = 2
N_SUBCORES = 16
N_WORKERS = N_CORES * N_SUBCORES
BUF_ROWS = 256


def _sc_body(n_edges, table_hbm, out_hbm, trow, buf, sem):
    rows_per_w = n_edges // N_WORKERS
    n_full = rows_per_w // BUF_ROWS
    rem = rows_per_w - n_full * BUF_ROWS
    cid = lax.axis_index("c")
    sid = lax.axis_index("s")
    wid = sid * N_CORES + cid
    base = wid * rows_per_w

    pltpu.sync_copy(table_hbm, trow)
    vals = [trow[0, pl.ds(d * LANES, LANES)] for d in range(EMB_DIM // LANES)]

    def fill(g, carry):
        for r in range(8):
            for d in range(EMB_DIM // LANES):
                buf[g * 8 + r, pl.ds(d * LANES, LANES)] = vals[d]
        return carry

    lax.fori_loop(0, BUF_ROWS // 8, fill, 0)

    copies = [
        pltpu.make_async_copy(
            buf, out_hbm.at[pl.ds(base + j * BUF_ROWS, BUF_ROWS)], sem
        )
        for j in range(n_full)
    ]
    if rem:
        copies.append(
            pltpu.make_async_copy(
                buf.at[pl.ds(0, rem)],
                out_hbm.at[pl.ds(base + n_full * BUF_ROWS, rem)],
                sem,
            )
        )
    for c in copies:
        c.start()
    for c in copies:
        c.wait()


def kernel(edge_index, table):
    n_edges = edge_index.shape[1]
    mesh = plsc.VectorSubcoreMesh(core_axis_name="c", subcore_axis_name="s")
    k = functools.partial(
        pl.kernel,
        out_type=jax.ShapeDtypeStruct((n_edges, EMB_DIM), jnp.float32),
        mesh=mesh,
        scratch_types=[
            pltpu.VMEM((1, EMB_DIM), jnp.float32),
            pltpu.VMEM((BUF_ROWS, EMB_DIM), jnp.float32),
            pltpu.SemaphoreType.DMA,
        ],
    )(functools.partial(_sc_body, n_edges))
    return k(table)

# --- scband reference (transcript-rebuilt; emitter-appended) ---
"""Pipeline reference for scband-dummy-edge-encoder-22978075034413 (READ-ONLY COPY).

The authoritative reference and input builder live on the scoring server;
editing this copy changes nothing except your own understanding.
"""

import jax, jax.numpy as jnp
import numpy as np

EMB_DIM = 128
N_NODES = 10000
N_EDGES = 320000

def setup_inputs(seed: int = 0) -> dict:
    key = jax.random.key(seed)
    k1, k2 = jax.random.split(key)
    edge_index = jax.random.randint(k1, (2, N_EDGES), 0, N_NODES, dtype=jnp.int32)
    # Embedding table: num_embeddings=1, embedding_dim=EMB_DIM (torch.nn.Embedding default init ~ N(0,1))
    table = jax.random.normal(k2, (1, EMB_DIM), dtype=jnp.float32)
    return {"edge_index": edge_index, "table": table}

def reference(edge_index, table):
    # batch.edge_attr is None; create dummy all-zero indices of shape [E]
    dummy_attr = jnp.zeros((edge_index.shape[1],), dtype=jnp.int32)
    # edge_attr = self.encoder(dummy_attr) -> embedding lookup
    edge_attr = jnp.take(table, dummy_attr, axis=0)
    return edge_attr

if __name__ == "__main__":
    import jax
    _d = setup_inputs()
    print(jax.jit(kernel)(*tuple(_d.values())))

</pallas_src>

<mosaic_0001>
#map = affine_map<(d0, d1) -> (0, 0)>
module attributes {stable_mosaic.version = 14 : i64} {
  func.func @_sc_body(%arg0: i32, %arg1: i32, %arg2: memref<1x128xf32, #tpu.memory_space<hbm>>, %arg3: memref<320000x128xf32, #tpu.memory_space<hbm>>, %arg4: memref<1x128xf32, #tpu.memory_space<vmem>>, %arg5: memref<256x128xf32, #tpu.memory_space<vmem>>, %arg6: memref<!tpu.dma_semaphore, #tpu.memory_space<semaphore_mem>>) attributes {dimension_semantics = [#tpu.dimension_semantics<core_parallel>, #tpu.dimension_semantics<subcore_parallel>], iteration_bounds = array<i64: 2, 16>, scalar_prefetch = 0 : i64, scratch_operands = 3 : i64, tpu.core_type = #tpu.core_type<sc_vector_subcore>, window_params = [{transform_indices = #map}, {transform_indices = #map}]} {
    %mul3A = arith.constant 2 : i32
    %mul3A_0 = arith.muli %arg1, %mul3A : i32
    %add3A = arith.addi %mul3A_0, %arg0 : i32
    %mul3A_1 = arith.constant 10000 : i32
    %mul3A_2 = arith.muli %add3A, %mul3A_1 : i32
    "tpu.region"() ({
      %run_scoped3A = tpu.sem_alloc : memref<!tpu.dma_semaphore, #tpu.memory_space<semaphore_mem>>
      tpu.enqueue_dma source(%arg2 : memref<1x128xf32, #tpu.memory_space<hbm>>) target(%arg4 : memref<1x128xf32, #tpu.memory_space<vmem>>) target_semaphore(%run_scoped3A : memref<!tpu.dma_semaphore, #tpu.memory_space<semaphore_mem>>)
      tpu.wait_dma2 semaphore(%run_scoped3A : memref<!tpu.dma_semaphore, #tpu.memory_space<semaphore_mem>>) src(%arg2 : memref<1x128xf32, #tpu.memory_space<hbm>>) dst(%arg4 : memref<1x128xf32, #tpu.memory_space<vmem>>)
      tpu.yield
    }) : () -> ()
    %get3A = arith.constant 0 : i32
    %get3A_3 = arith.index_cast %get3A : i32 to index
    %get3A_4 = arith.constant 0 : index
    %get3A_5 = tpu.vector_load %arg4[%get3A_3, %get3A_4] {strides = array<i32>} : memref<1x128xf32, #tpu.memory_space<vmem>>, vector<1x16xf32>,
    %get3A_6 = vector.shape_cast %get3A_5 : vector<1x16xf32> to vector<16xf32>
    %get3A_7 = arith.constant 0 : i32
    %get3A_8 = arith.index_cast %get3A_7 : i32 to index
    %get3A_9 = arith.constant 16 : index
    %get3A_10 = tpu.vector_load %arg4[%get3A_8, %get3A_9] {strides = array<i32>} : memref<1x128xf32, #tpu.memory_space<vmem>>, vector<1x16xf32>,
    %get3A_11 = vector.shape_cast %get3A_10 : vector<1x16xf32> to vector<16xf32>
    %get3A_12 = arith.constant 0 : i32
    %get3A_13 = arith.index_cast %get3A_12 : i32 to index
    %get3A_14 = arith.constant 32 : index
    %get3A_15 = tpu.vector_load %arg4[%get3A_13, %get3A_14] {strides = array<i32>} : memref<1x128xf32, #tpu.memory_space<vmem>>, vector<1x16xf32>,
    %get3A_16 = vector.shape_cast %get3A_15 : vector<1x16xf32> to vector<16xf32>
    %get3A_17 = arith.constant 0 : i32
    %get3A_18 = arith.index_cast %get3A_17 : i32 to index
    %get3A_19 = arith.constant 48 : index
    %get3A_20 = tpu.vector_load %arg4[%get3A_18, %get3A_19] {strides = array<i32>} : memref<1x128xf32, #tpu.memory_space<vmem>>, vector<1x16xf32>,
    %get3A_21 = vector.shape_cast %get3A_20 : vector<1x16xf32> to vector<16xf32>
    %get3A_22 = arith.constant 0 : i32
    %get3A_23 = arith.index_cast %get3A_22 : i32 to index
    %get3A_24 = arith.constant 64 : index
    %get3A_25 = tpu.vector_load %arg4[%get3A_23, %get3A_24] {strides = array<i32>} : memref<1x128xf32, #tpu.memory_space<vmem>>, vector<1x16xf32>,
    %get3A_26 = vector.shape_cast %get3A_25 : vector<1x16xf32> to vector<16xf32>
    %get3A_27 = arith.constant 0 : i32
    %get3A_28 = arith.index_cast %get3A_27 : i32 to index
    %get3A_29 = arith.constant 80 : index
    %get3A_30 = tpu.vector_load %arg4[%get3A_28, %get3A_29] {strides = array<i32>} : memref<1x128xf32, #tpu.memory_space<vmem>>, vector<1x16xf32>,
    %get3A_31 = vector.shape_cast %get3A_30 : vector<1x16xf32> to vector<16xf32>
    %get3A_32 = arith.constant 0 : i32
    %get3A_33 = arith.index_cast %get3A_32 : i32 to index
    %get3A_34 = arith.constant 96 : index
    %get3A_35 = tpu.vector_load %arg4[%get3A_33, %get3A_34] {strides = array<i32>} : memref<1x128xf32, #tpu.memory_space<vmem>>, vector<1x16xf32>,
    %get3A_36 = vector.shape_cast %get3A_35 : vector<1x16xf32> to vector<16xf32>
    %get3A_37 = arith.constant 0 : i32
    %get3A_38 = arith.index_cast %get3A_37 : i32 to index
    %get3A_39 = arith.constant 112 : index
    %get3A_40 = tpu.vector_load %arg4[%get3A_38, %get3A_39] {strides = array<i32>} : memref<1x128xf32, #tpu.memory_space<vmem>>, vector<1x16xf32>,
    %get3A_41 = vector.shape_cast %get3A_40 : vector<1x16xf32> to vector<16xf32>
    %scan3A = arith.constant 0 : i32
    %scan3A_42 = arith.constant 0 : i32
    %scan3A_43 = arith.constant 32 : i32
    %scan3A_44 = arith.addi %scan3A_42, %scan3A_43 : i32
    %scan3A_45 = arith.constant 1 : i32
    scf.for %scan3A_457 = %scan3A_42 to %scan3A_44 step %scan3A_45  : i32 {
      %mul3A_458 = arith.constant 8 : i32
      %mul3A_459 = arith.muli %scan3A_457, %mul3A_458 : i32
      %add3A_460 = arith.constant 0 : i32
      %add3A_461 = arith.addi %mul3A_459, %add3A_460 : i32
      %swap3A = arith.index_cast %add3A_461 : i32 to index
      %swap3A_462 = arith.constant 0 : index
      %swap3A_463 = tpu.vector_load %arg5[%swap3A, %swap3A_462] {strides = array<i32>} : memref<256x128xf32, #tpu.memory_space<vmem>>, vector<1x16xf32>,
      %swap3A_464 = vector.shape_cast %swap3A_463 : vector<1x16xf32> to vector<16xf32>
      %swap3A_465 = vector.shape_cast %get3A_6 : vector<16xf32> to vector<1x16xf32>
      tpu.vector_store %arg5[%swap3A, %swap3A_462], %swap3A_465 {strides = array<i32>} : memref<256x128xf32, #tpu.memory_space<vmem>>, vector<1x16xf32>,
      %mul3A_466 = arith.constant 8 : i32
      %mul3A_467 = arith.muli %scan3A_457, %mul3A_466 : i32
      %add3A_468 = arith.constant 0 : i32
      %add3A_469 = arith.addi %mul3A_467, %add3A_468 : i32
      %swap3A_470 = arith.index_cast %add3A_469 : i32 to index
      %swap3A_471 = arith.constant 16 : index
      %swap3A_472 = tpu.vector_load %arg5[%swap3A_470, %swap3A_471] {strides = array<i32>} : memref<256x128xf32, #tpu.memory_space<vmem>>, vector<1x16xf32>,
      %swap3A_473 = vector.shape_cast %swap3A_472 : vector<1x16xf32> to vector<16xf32>
      %swap3A_474 = vector.shape_cast %get3A_11 : vector<16xf32> to vector<1x16xf32>
      tpu.vector_store %arg5[%swap3A_470, %swap3A_471], %swap3A_474 {strides = array<i32>} : memref<256x128xf32, #tpu.memory_space<vmem>>, vector<1x16xf32>,
      %mul3A_475 = arith.constant 8 : i32
      %mul3A_476 = arith.muli %scan3A_457, %mul3A_475 : i32
      %add3A_477 = arith.constant 0 : i32
      %add3A_478 = arith.addi %mul3A_476, %add3A_477 : i32
      %swap3A_479 = arith.index_cast %add3A_478 : i32 to index
      %swap3A_480 = arith.constant 32 : index
      %swap3A_481 = tpu.vector_load %arg5[%swap3A_479, %swap3A_480] {strides = array<i32>} : memref<256x128xf32, #tpu.memory_space<vmem>>, vector<1x16xf32>,
      %swap3A_482 = vector.shape_cast %swap3A_481 : vector<1x16xf32> to vector<16xf32>
      %swap3A_483 = vector.shape_cast %get3A_16 : vector<16xf32> to vector<1x16xf32>
      tpu.vector_store %arg5[%swap3A_479, %swap3A_480], %swap3A_483 {strides = array<i32>} : memref<256x128xf32, #tpu.memory_space<vmem>>, vector<1x16xf32>,
      %mul3A_484 = arith.constant 8 : i32
      %mul3A_485 = arith.muli %scan3A_457, %mul3A_484 : i32
      %add3A_486 = arith.constant 0 : i32
      %add3A_487 = arith.addi %mul3A_485, %add3A_486 : i32
      %swap3A_488 = arith.index_cast %add3A_487 : i32 to index
      %swap3A_489 = arith.constant 48 : index
      %swap3A_490 = tpu.vector_load %arg5[%swap3A_488, %swap3A_489] {strides = array<i32>} : memref<256x128xf32, #tpu.memory_space<vmem>>, vector<1x16xf32>,
      %swap3A_491 = vector.shape_cast %swap3A_490 : vector<1x16xf32> to vector<16xf32>
      %swap3A_492 = vector.shape_cast %get3A_21 : vector<16xf32> to vector<1x16xf32>
      tpu.vector_store %arg5[%swap3A_488, %swap3A_489], %swap3A_492 {strides = array<i32>} : memref<256x128xf32, #tpu.memory_space<vmem>>, vector<1x16xf32>,
      %mul3A_493 = arith.constant 8 : i32
      %mul3A_494 = arith.muli %scan3A_457, %mul3A_493 : i32
      %add3A_495 = arith.constant 0 : i32
      %add3A_496 = arith.addi %mul3A_494, %add3A_495 : i32
      %swap3A_497 = arith.index_cast %add3A_496 : i32 to index
      %swap3A_498 = arith.constant 64 : index
      %swap3A_499 = tpu.vector_load %arg5[%swap3A_497, %swap3A_498] {strides = array<i32>} : memref<256x128xf32, #tpu.memory_space<vmem>>, vector<1x16xf32>,
      %swap3A_500 = vector.shape_cast %swap3A_499 : vector<1x16xf32> to vector<16xf32>
      %swap3A_501 = vector.shape_cast %get3A_26 : vector<16xf32> to vector<1x16xf32>
      tpu.vector_store %arg5[%swap3A_497, %swap3A_498], %swap3A_501 {strides = array<i32>} : memref<256x128xf32, #tpu.memory_space<vmem>>, vector<1x16xf32>,
      %mul3A_502 = arith.constant 8 : i32
      %mul3A_503 = arith.muli %scan3A_457, %mul3A_502 : i32
      %add3A_504 = arith.constant 0 : i32
      %add3A_505 = arith.addi %mul3A_503, %add3A_504 : i32
      %swap3A_506 = arith.index_cast %add3A_505 : i32 to index
      %swap3A_507 = arith.constant 80 : index
      %swap3A_508 = tpu.vector_load %arg5[%swap3A_506, %swap3A_507] {strides = array<i32>} : memref<256x128xf32, #tpu.memory_space<vmem>>, vector<1x16xf32>,
      %swap3A_509 = vector.shape_cast %swap3A_508 : vector<1x16xf32> to vector<16xf32>
      %swap3A_510 = vector.shape_cast %get3A_31 : vector<16xf32> to vector<1x16xf32>
      tpu.vector_store %arg5[%swap3A_506, %swap3A_507], %swap3A_510 {strides = array<i32>} : memref<256x128xf32, #tpu.memory_space<vmem>>, vector<1x16xf32>,
      %mul3A_511 = arith.constant 8 : i32
      %mul3A_512 = arith.muli %scan3A_457, %mul3A_511 : i32
      %add3A_513 = arith.constant 0 : i32
      %add3A_514 = arith.addi %mul3A_512, %add3A_513 : i32
      %swap3A_515 = arith.index_cast %add3A_514 : i32 to index
      %swap3A_516 = arith.constant 96 : index
      %swap3A_517 = tpu.vector_load %arg5[%swap3A_515, %swap3A_516] {strides = array<i32>} : memref<256x128xf32, #tpu.memory_space<vmem>>, vector<1x16xf32>,
      %swap3A_518 = vector.shape_cast %swap3A_517 : vector<1x16xf32> to vector<16xf32>
      %swap3A_519 = vector.shape_cast %get3A_36 : vector<16xf32> to vector<1x16xf32>
      tpu.vector_store %arg5[%swap3A_515, %swap3A_516], %swap3A_519 {strides = array<i32>} : memref<256x128xf32, #tpu.memory_space<vmem>>, vector<1x16xf32>,
      %mul3A_520 = arith.constant 8 : i32
      %mul3A_521 = arith.muli %scan3A_457, %mul3A_520 : i32
      %add3A_522 = arith.constant 0 : i32
      %add3A_523 = arith.addi %mul3A_521, %add3A_522 : i32
      %swap3A_524 = arith.index_cast %add3A_523 : i32 to index
      %swap3A_525 = arith.constant 112 : index
      %swap3A_526 = tpu.vector_load %arg5[%swap3A_524, %swap3A_525] {strides = array<i32>} : memref<256x128xf32, #tpu.memory_space<vmem>>, vector<1x16xf32>,
      %swap3A_527 = vector.shape_cast %swap3A_526 : vector<1x16xf32> to vector<16xf32>
      %swap3A_528 = vector.shape_cast %get3A_41 : vector<16xf32> to vector<1x16xf32>
      tpu.vector_store %arg5[%swap3A_524, %swap3A_525], %swap3A_528 {strides = array<i32>} : memref<256x128xf32, #tpu.memory_space<vmem>>, vector<1x16xf32>,
      %mul3A_529 = arith.constant 8 : i32
      %mul3A_530 = arith.muli %scan3A_457, %mul3A_529 : i32
      %add3A_531 = arith.constant 1 : i32
      %add3A_532 = arith.addi %mul3A_530, %add3A_531 : i32
      %swap3A_533 = arith.index_cast %add3A_532 : i32 to index
      %swap3A_534 = arith.constant 0 : index
      %swap3A_535 = tpu.vector_load %arg5[%swap3A_533, %swap3A_534] {strides = array<i32>} : memref<256x128xf32, #tpu.memory_space<vmem>>, vector<1x16xf32>,
      %swap3A_536 = vector.shape_cast %swap3A_535 : vector<1x16xf32> to vector<16xf32>
      %swap3A_537 = vector.shape_cast %get3A_6 : vector<16xf32> to vector<1x16xf32>
      tpu.vector_store %arg5[%swap3A_533, %swap3A_534], %swap3A_537 {strides = array<i32>} : memref<256x128xf32, #tpu.memory_space<vmem>>, vector<1x16xf32>,
      %mul3A_538 = arith.constant 8 : i32
      %mul3A_539 = arith.muli %scan3A_457, %mul3A_538 : i32
      %add3A_540 = arith.constant 1 : i32
      %add3A_541 = arith.addi %mul3A_539, %add3A_540 : i32
      %swap3A_542 = arith.index_cast %add3A_541 : i32 to index
      %swap3A_543 = arith.constant 16 : index
      %swap3A_544 = tpu.vector_load %arg5[%swap3A_542, %swap3A_543] {strides = array<i32>} : memref<256x128xf32, #tpu.memory_space<vmem>>, vector<1x16xf32>,
      %swap3A_545 = vector.shape_cast %swap3A_544 : vector<1x16xf32> to vector<16xf32>
      %swap3A_546 = vector.shape_cast %get3A_11 : vector<16xf32> to vector<1x16xf32>
      tpu.vector_store %arg5[%swap3A_542, %swap3A_543], %swap3A_546 {strides = array<i32>} : memref<256x128xf32, #tpu.memory_space<vmem>>, vector<1x16xf32>,
      %mul3A_547 = arith.constant 8 : i32
      %mul3A_548 = arith.muli %scan3A_457, %mul3A_547 : i32
      %add3A_549 = arith.constant 1 : i32
      %add3A_550 = arith.addi %mul3A_548, %add3A_549 : i32
      %swap3A_551 = arith.index_cast %add3A_550 : i32 to index
      %swap3A_552 = arith.constant 32 : index
      %swap3A_553 = tpu.vector_load %arg5[%swap3A_551, %swap3A_552] {strides = array<i32>} : memref<256x128xf32, #tpu.memory_space<vmem>>, vector<1x16xf32>,
      %swap3A_554 = vector.shape_cast %swap3A_553 : vector<1x16xf32> to vector<16xf32>
      %swap3A_555 = vector.shape_cast %get3A_16 : vector<16xf32> to vector<1x16xf32>
      tpu.vector_store %arg5[%swap3A_551, %swap3A_552], %swap3A_555 {strides = array<i32>} : memref<256x128xf32, #tpu.memory_space<vmem>>, vector<1x16xf32>,
      %mul3A_556 = arith.constant 8 : i32
      %mul3A_557 = arith.muli %scan3A_457, %mul3A_556 : i32
      %add3A_558 = arith.constant 1 : i32
      %add3A_559 = arith.addi %mul3A_557, %add3A_558 : i32
      %swap3A_560 = arith.index_cast %add3A_559 : i32 to index
      %swap3A_561 = arith.constant 48 : index
      %swap3A_562 = tpu.vector_load %arg5[%swap3A_560, %swap3A_561] {strides = array<i32>} : memref<256x128xf32, #tpu.memory_space<vmem>>, vector<1x16xf32>,
      %swap3A_563 = vector.shape_cast %swap3A_562 : vector<1x16xf32> to vector<16xf32>
      %swap3A_564 = vector.shape_cast %get3A_21 : vector<16xf32> to vector<1x16xf32>
      tpu.vector_store %arg5[%swap3A_560, %swap3A_561], %swap3A_564 {strides = array<i32>} : memref<256x128xf32, #tpu.memory_space<vmem>>, vector<1x16xf32>,
      %mul3A_565 = arith.constant 8 : i32
      %mul3A_566 = arith.muli %scan3A_457, %mul3A_565 : i32
      %add3A_567 = arith.constant 1 : i32
      %add3A_568 = arith.addi %mul3A_566, %add3A_567 : i32
      %swap3A_569 = arith.index_cast %add3A_568 : i32 to index
      %swap3A_570 = arith.constant 64 : index
      %swap3A_571 = tpu.vector_load %arg5[%swap3A_569, %swap3A_570] {strides = array<i32>} : memref<256x128xf32, #tpu.memory_space<vmem>>, vector<1x16xf32>,
      %swap3A_572 = vector.shape_cast %swap3A_571 : vector<1x16xf32> to vector<16xf32>
      %swap3A_573 = vector.shape_cast %get3A_26 : vector<16xf32> to vector<1x16xf32>
      tpu.vector_store %arg5[%swap3A_569, %swap3A_570], %swap3A_573 {strides = array<i32>} : memref<256x128xf32, #tpu.memory_space<vmem>>, vector<1x16xf32>,
      %mul3A_574 = arith.constant 8 : i32
      %mul3A_575 = arith.muli %scan3A_457, %mul3A_574 : i32
      %add3A_576 = arith.constant 1 : i32
      %add3A_577 = arith.addi %mul3A_575, %add3A_576 : i32
      %swap3A_578 = arith.index_cast %add3A_577 : i32 to index
      %swap3A_579 = arith.constant 80 : index
      %swap3A_580 = tpu.vector_load %arg5[%swap3A_578, %swap3A_579] {strides = array<i32>} : memref<256x128xf32, #tpu.memory_space<vmem>>, vector<1x16xf32>,
      %swap3A_581 = vector.shape_cast %swap3A_580 : vector<1x16xf32> to vector<16xf32>
      %swap3A_582 = vector.shape_cast %get3A_31 : vector<16xf32> to vector<1x16xf32>
      tpu.vector_store %arg5[%swap3A_578, %swap3A_579], %swap3A_582 {strides = array<i32>} : memref<256x128xf32, #tpu.memory_space<vmem>>, vector<1x16xf32>,
      %mul3A_583 = arith.constant 8 : i32
      %mul3A_584 = arith.muli %scan3A_457, %mul3A_583 : i32
      %add3A_585 = arith.constant 1 : i32
      %add3A_586 = arith.addi %mul3A_584, %add3A_585 : i32
      %swap3A_587 = arith.index_cast %add3A_586 : i32 to index
      %swap3A_588 = arith.constant 96 : index
      %swap3A_589 = tpu.vector_load %arg5[%swap3A_587, %swap3A_588] {strides = array<i32>} : memref<256x128xf32, #tpu.memory_space<vmem>>, vector<1x16xf32>,
      %swap3A_590 = vector.shape_cast %swap3A_589 : vector<1x16xf32> to vector<16xf32>
      %swap3A_591 = vector.shape_cast %get3A_36 : vector<16xf32> to vector<1x16xf32>
      tpu.vector_store %arg5[%swap3A_587, %swap3A_588], %swap3A_591 {strides = array<i32>} : memref<256x128xf32, #tpu.memory_space<vmem>>, vector<1x16xf32>,
      %mul3A_592 = arith.constant 8 : i32
      %mul3A_593 = arith.muli %scan3A_457, %mul3A_592 : i32
      %add3A_594 = arith.constant 1 : i32
      %add3A_595 = arith.addi %mul3A_593, %add3A_594 : i32
      %swap3A_596 = arith.index_cast %add3A_595 : i32 to index
      %swap3A_597 = arith.constant 112 : index
      %swap3A_598 = tpu.vector_load %arg5[%swap3A_596, %swap3A_597] {strides = array<i32>} : memref<256x128xf32, #tpu.memory_space<vmem>>, vector<1x16xf32>,
      %swap3A_599 = vector.shape_cast %swap3A_598 : vector<1x16xf32> to vector<16xf32>
      %swap3A_600 = vector.shape_cast %get3A_41 : vector<16xf32> to vector<1x16xf32>
      tpu.vector_store %arg5[%swap3A_596, %swap3A_597], %swap3A_600 {strides = array<i32>} : memref<256x128xf32, #tpu.memory_space<vmem>>, vector<1x16xf32>,
      %mul3A_601 = arith.constant 8 : i32
      %mul3A_602 = arith.muli %scan3A_457, %mul3A_601 : i32
      %add3A_603 = arith.constant 2 : i32
      %add3A_604 = arith.addi %mul3A_602, %add3A_603 : i32
      %swap3A_605 = arith.index_cast %add3A_604 : i32 to index
      %swap3A_606 = arith.constant 0 : index
      %swap3A_607 = tpu.vector_load %arg5[%swap3A_605, %swap3A_606] {strides = array<i32>} : memref<256x128xf32, #tpu.memory_space<vmem>>, vector<1x16xf32>,
      %swap3A_608 = vector.shape_cast %swap3A_607 : vector<1x16xf32> to vector<16xf32>
      %swap3A_609 = vector.shape_cast %get3A_6 : vector<16xf32> to vector<1x16xf32>
      tpu.vector_store %arg5[%swap3A_605, %swap3A_606], %swap3A_609 {strides = array<i32>} : memref<256x128xf32, #tpu.memory_space<vmem>>, vector<1x16xf32>,
      %mul3A_610 = arith.constant 8 : i32
      %mul3A_611 = arith.muli %scan3A_457, %mul3A_610 : i32
      %add3A_612 = arith.constant 2 : i32
      %add3A_613 = arith.addi %mul3A_611, %add3A_612 : i32
      %swap3A_614 = arith.index_cast %add3A_613 : i32 to index
      %swap3A_615 = arith.constant 16 : index
      %swap3A_616 = tpu.vector_load %arg5[%swap3A_614, %swap3A_615] {strides = array<i32>} : memref<256x128xf32, #tpu.memory_space<vmem>>, vector<1x16xf32>,
      %swap3A_617 = vector.shape_cast %swap3A_616 : vector<1x16xf32> to vector<16xf32>
      %swap3A_618 = vector.shape_cast %get3A_11 : vector<16xf32> to vector<1x16xf32>
      tpu.vector_store %arg5[%swap3A_614, %swap3A_615], %swap3A_618 {strides = array<i32>} : memref<256x128xf32, #tpu.memory_space<vmem>>, vector<1x16xf32>,
      %mul3A_619 = arith.constant 8 : i32
      %mul3A_620 = arith.muli %scan3A_457, %mul3A_619 : i32
      %add3A_621 = arith.constant 2 : i32
      %add3A_622 = arith.addi %mul3A_620, %add3A_621 : i32
      %swap3A_623 = arith.index_cast %add3A_622 : i32 to index
      %swap3A_624 = arith.constant 32 : index
      %swap3A_625 = tpu.vector_load %arg5[%swap3A_623, %swap3A_624] {strides = array<i32>} : memref<256x128xf32, #tpu.memory_space<vmem>>, vector<1x16xf32>,
      %swap3A_626 = vector.shape_cast %swap3A_625 : vector<1x16xf32> to vector<16xf32>
      %swap3A_627 = vector.shape_cast %get3A_16 : vector<16xf32> to vector<1x16xf32>
      tpu.vector_store %arg5[%swap3A_623, %swap3A_624], %swap3A_627 {strides = array<i32>} : memref<256x128xf32, #tpu.memory_space<vmem>>, vector<1x16xf32>,
      %mul3A_628 = arith.constant 8 : i32
      %mul3A_629 = arith.muli %scan3A_457, %mul3A_628 : i32
      %add3A_630 = arith.constant 2 : i32
      %add3A_631 = arith.addi %mul3A_629, %add3A_630 : i32
      %swap3A_632 = arith.index_cast %add3A_631 : i32 to index
      %swap3A_633 = arith.constant 48 : index
      %swap3A_634 = tpu.vector_load %arg5[%swap3A_632, %swap3A_633] {strides = array<i32>} : memref<256x128xf32, #tpu.memory_space<vmem>>, vector<1x16xf32>,
      %swap3A_635 = vector.shape_cast %swap3A_634 : vector<1x16xf32> to vector<16xf32>
      %swap3A_636 = vector.shape_cast %get3A_21 : vector<16xf32> to vector<1x16xf32>
      tpu.vector_store %arg5[%swap3A_632, %swap3A_633], %swap3A_636 {strides = array<i32>} : memref<256x128xf32, #tpu.memory_space<vmem>>, vector<1x16xf32>,
      %mul3A_637 = arith.constant 8 : i32
      %mul3A_638 = arith.muli %scan3A_457, %mul3A_637 : i32
      %add3A_639 = arith.constant 2 : i32
      %add3A_640 = arith.addi %mul3A_638, %add3A_639 : i32
      %swap3A_641 = arith.index_cast %add3A_640 : i32 to index
      %swap3A_642 = arith.constant 64 : index
      %swap3A_643 = tpu.vector_load %arg5[%swap3A_641, %swap3A_642] {strides = array<i32>} : memref<256x128xf32, #tpu.memory_space<vmem>>, vector<1x16xf32>,
      %swap3A_644 = vector.shape_cast %swap3A_643 : vector<1x16xf32> to vector<16xf32>
      %swap3A_645 = vector.shape_cast %get3A_26 : vector<16xf32> to vector<1x16xf32>
      tpu.vector_store %arg5[%swap3A_641, %swap3A_642], %swap3A_645 {strides = array<i32>} : memref<256x128xf32, #tpu.memory_space<vmem>>, vector<1x16xf32>,
      %mul3A_646 = arith.constant 8 : i32
      %mul3A_647 = arith.muli %scan3A_457, %mul3A_646 : i32
      %add3A_648 = arith.constant 2 : i32
      %add3A_649 = arith.addi %mul3A_647, %add3A_648 : i32
      %swap3A_650 = arith.index_cast %add3A_649 : i32 to index
      %swap3A_651 = arith.constant 80 : index
      %swap3A_652 = tpu.vector_load %arg5[%swap3A_650, %swap3A_651] {strides = array<i32>} : memref<256x128xf32, #tpu.memory_space<vmem>>, vector<1x16xf32>,
      %swap3A_653 = vector.shape_cast %swap3A_652 : vector<1x16xf32> to vector<16xf32>
      %swap3A_654 = vector.shape_cast %get3A_31 : vector<16xf32> to vector<1x16xf32>
      tpu.vector_store %arg5[%swap3A_650, %swap3A_651], %swap3A_654 {strides = array<i32>} : memref<256x128xf32, #tpu.memory_space<vmem>>, vector<1x16xf32>,
      %mul3A_655 = arith.constant 8 : i32
      %mul3A_656 = arith.muli %scan3A_457, %mul3A_655 : i32
      %add3A_657 = arith.constant 2 : i32
      %add3A_658 = arith.addi %mul3A_656, %add3A_657 : i32
      %swap3A_659 = arith.index_cast %add3A_658 : i32 to index
      %swap3A_660 = arith.constant 96 : index
      %swap3A_661 = tpu.vector_load %arg5[%swap3A_659, %swap3A_660] {strides = array<i32>} : memref<256x128xf32, #tpu.memory_space<vmem>>, vector<1x16xf32>,
      %swap3A_662 = vector.shape_cast %swap3A_661 : vector<1x16xf32> to vector<16xf32>
      %swap3A_663 = vector.shape_cast %get3A_36 : vector<16xf32> to vector<1x16xf32>
      tpu.vector_store %arg5[%swap3A_659, %swap3A_660], %swap3A_663 {strides = array<i32>} : memref<256x128xf32, #tpu.memory_space<vmem>>, vector<1x16xf32>,
      %mul3A_664 = arith.constant 8 : i32
      %mul3A_665 = arith.muli %scan3A_457, %mul3A_664 : i32
      %add3A_666 = arith.constant 2 : i32
      %add3A_667 = arith.addi %mul3A_665, %add3A_666 : i32
      %swap3A_668 = arith.index_cast %add3A_667 : i32 to index
      %swap3A_669 = arith.constant 112 : index
      %swap3A_670 = tpu.vector_load %arg5[%swap3A_668, %swap3A_669] {strides = array<i32>} : memref<256x128xf32, #tpu.memory_space<vmem>>, vector<1x16xf32>,
      %swap3A_671 = vector.shape_cast %swap3A_670 : vector<1x16xf32> to vector<16xf32>
      %swap3A_672 = vector.shape_cast %get3A_41 : vector<16xf32> to vector<1x16xf32>
      tpu.vector_store %arg5[%swap3A_668, %swap3A_669], %swap3A_672 {strides = array<i32>} : memref<256x128xf32, #tpu.memory_space<vmem>>, vector<1x16xf32>,
      %mul3A_673 = arith.constant 8 : i32
      %mul3A_674 = arith.muli %scan3A_457, %mul3A_673 : i32
      %add3A_675 = arith.constant 3 : i32
      %add3A_676 = arith.addi %mul3A_674, %add3A_675 : i32
      %swap3A_677 = arith.index_cast %add3A_676 : i32 to index
      %swap3A_678 = arith.constant 0 : index
      %swap3A_679 = tpu.vector_load %arg5[%swap3A_677, %swap3A_678] {strides = array<i32>} : memref<256x128xf32, #tpu.memory_space<vmem>>, vector<1x16xf32>,
      %swap3A_680 = vector.shape_cast %swap3A_679 : vector<1x16xf32> to vector<16xf32>
      %swap3A_681 = vector.shape_cast %get3A_6 : vector<16xf32> to vector<1x16xf32>
      tpu.vector_store %arg5[%swap3A_677, %swap3A_678], %swap3A_681 {strides = array<i32>} : memref<256x128xf32, #tpu.memory_space<vmem>>, vector<1x16xf32>,
      %mul3A_682 = arith.constant 8 : i32
      %mul3A_683 = arith.muli %scan3A_457, %mul3A_682 : i32
      %add3A_684 = arith.constant 3 : i32
      %add3A_685 = arith.addi %mul3A_683, %add3A_684 : i32
      %swap3A_686 = arith.index_cast %add3A_685 : i32 to index
      %swap3A_687 = arith.constant 16 : index
      %swap3A_688 = tpu.vector_load %arg5[%swap3A_686, %swap3A_687] {strides = array<i32>} : memref<256x128xf32, #tpu.memory_space<vmem>>, vector<1x16xf32>,
      %swap3A_689 = vector.shape_cast %swap3A_688 : vector<1x16xf32> to vector<16xf32>
      %swap3A_690 = vector.shape_cast %get3A_11 : vector<16xf32> to vector<1x16xf32>
      tpu.vector_store %arg5[%swap3A_686, %swap3A_687], %swap3A_690 {strides = array<i32>} : memref<256x128xf32, #tpu.memory_space<vmem>>, vector<1x16xf32>,
      %mul3A_691 = arith.constant 8 : i32
      %mul3A_692 = arith.muli %scan3A_457, %mul3A_691 : i32
      %add3A_693 = arith.constant 3 : i32
      %add3A_694 = arith.addi %mul3A_692, %add3A_693 : i32
      %swap3A_695 = arith.index_cast %add3A_694 : i32 to index
      %swap3A_696 = arith.constant 32 : index
      %swap3A_697 = tpu.vector_load %arg5[%swap3A_695, %swap3A_696] {strides = array<i32>} : memref<256x128xf32, #tpu.memory_space<vmem>>, vector<1x16xf32>,
      %swap3A_698 = vector.shape_cast %swap3A_697 : vector<1x16xf32> to vector<16xf32>
      %swap3A_699 = vector.shape_cast %get3A_16 : vector<16xf32> to vector<1x16xf32>
      tpu.vector_store %arg5[%swap3A_695, %swap3A_696], %swap3A_699 {strides = array<i32>} : memref<256x128xf32, #tpu.memory_space<vmem>>, vector<1x16xf32>,
      %mul3A_700 = arith.constant 8 : i32
      %mul3A_701 = arith.muli %scan3A_457, %mul3A_700 : i32
      %add3A_702 = arith.constant 3 : i32
      %add3A_703 = arith.addi %mul3A_701, %add3A_702 : i32
      %swap3A_704 = arith.index_cast %add3A_703 : i32 to index
      %swap3A_705 = arith.constant 48 : index
      %swap3A_706 = tpu.vector_load %arg5[%swap3A_704, %swap3A_705] {strides = array<i32>} : memref<256x128xf32, #tpu.memory_space<vmem>>, vector<1x16xf32>,
      %swap3A_707 = vector.shape_cast %swap3A_706 : vector<1x16xf32> to vector<16xf32>
      %swap3A_708 = vector.shape_cast %get3A_21 : vector<16xf32> to vector<1x16xf32>
      tpu.vector_store %arg5[%swap3A_704, %swap3A_705], %swap3A_708 {strides = array<i32>} : memref<256x128xf32, #tpu.memory_space<vmem>>, vector<1x16xf32>,
      %mul3A_709 = arith.constant 8 : i32
      %mul3A_710 = arith.muli %scan3A_457, %mul3A_709 : i32
      %add3A_711 = arith.constant 3 : i32
      %add3A_712 = arith.addi %mul3A_710, %add3A_711 : i32
      %swap3A_713 = arith.index_cast %add3A_712 : i32 to index
      %swap3A_714 = arith.constant 64 : index
      %swap3A_715 = tpu.vector_load %arg5[%swap3A_713, %swap3A_714] {strides = array<i32>} : memref<256x128xf32, #tpu.memory_space<vmem>>, vector<1x16xf32>,
      %swap3A_716 = vector.shape_cast %swap3A_715 : vector<1x16xf32> to vector<16xf32>
      %swap3A_717 = vector.shape_cast %get3A_26 : vector<16xf32> to vector<1x16xf32>
      tpu.vector_store %arg5[%swap3A_713, %swap3A_714], %swap3A_717 {strides = array<i32>} : memref<256x128xf32, #tpu.memory_space<vmem>>, vector<1x16xf32>,
      %mul3A_718 = arith.constant 8 : i32
      %mul3A_719 = arith.muli %scan3A_457, %mul3A_718 : i32
      %add3A_720 = arith.constant 3 : i32
      %add3A_721 = arith.addi %mul3A_719, %add3A_720 : i32
      %swap3A_722 = arith.index_cast %add3A_721 : i32 to index
      %swap3A_723 = arith.constant 80 : index
      %swap3A_724 = tpu.vector_load %arg5[%swap3A_722, %swap3A_723] {strides = array<i32>} : memref<256x128xf32, #tpu.memory_space<vmem>>, vector<1x16xf32>,
      %swap3A_725 = vector.shape_cast %swap3A_724 : vector<1x16xf32> to vector<16xf32>
      %swap3A_726 = vector.shape_cast %get3A_31 : vector<16xf32> to vector<1x16xf32>
      tpu.vector_store %arg5[%swap3A_722, %swap3A_723], %swap3A_726 {strides = array<i32>} : memref<256x128xf32, #tpu.memory_space<vmem>>, vector<1x16xf32>,
      %mul3A_727 = arith.constant 8 : i32
      %mul3A_728 = arith.muli %scan3A_457, %mul3A_727 : i32
      %add3A_729 = arith.constant 3 : i32
      %add3A_730 = arith.addi %mul3A_728, %add3A_729 : i32
      %swap3A_731 = arith.index_cast %add3A_730 : i32 to index
      %swap3A_732 = arith.constant 96 : index
      %swap3A_733 = tpu.vector_load %arg5[%swap3A_731, %swap3A_732] {strides = array<i32>} : memref<256x128xf32, #tpu.memory_space<vmem>>, vector<1x16xf32>,
      %swap3A_734 = vector.shape_cast %swap3A_733 : vector<1x16xf32> to vector<16xf32>
      %swap3A_735 = vector.shape_cast %get3A_36 : vector<16xf32> to vector<1x16xf32>
      tpu.vector_store %arg5[%swap3A_731, %swap3A_732], %swap3A_735 {strides = array<i32>} : memref<256x128xf32, #tpu.memory_space<vmem>>, vector<1x16xf32>,
      %mul3A_736 = arith.constant 8 : i32
      %mul3A_737 = arith.muli %scan3A_457, %mul3A_736 : i32
      %add3A_738 = arith.constant 3 : i32
      %add3A_739 = arith.addi %mul3A_737, %add3A_738 : i32
      %swap3A_740 = arith.index_cast %add3A_739 : i32 to index
      %swap3A_741 = arith.constant 112 : index
      %swap3A_742 = tpu.vector_load %arg5[%swap3A_740, %swap3A_741] {strides = array<i32>} : memref<256x128xf32, #tpu.memory_space<vmem>>, vector<1x16xf32>,
      %swap3A_743 = vector.shape_cast %swap3A_742 : vector<1x16xf32> to vector<16xf32>
      %swap3A_744 = vector.shape_cast %get3A_41 : vector<16xf32> to vector<1x16xf32>
      tpu.vector_store %arg5[%swap3A_740, %swap3A_741], %swap3A_744 {strides = array<i32>} : memref<256x128xf32, #tpu.memory_space<vmem>>, vector<1x16xf32>,
      %mul3A_745 = arith.constant 8 : i32
      %mul3A_746 = arith.muli %scan3A_457, %mul3A_745 : i32
      %add3A_747 = arith.constant 4 : i32
      %add3A_748 = arith.addi %mul3A_746, %add3A_747 : i32
      %swap3A_749 = arith.index_cast %add3A_748 : i32 to index
      %swap3A_750 = arith.constant 0 : index
      %swap3A_751 = tpu.vector_load %arg5[%swap3A_749, %swap3A_750] {strides = array<i32>} : memref<256x128xf32, #tpu.memory_space<vmem>>, vector<1x16xf32>,
      %swap3A_752 = vector.shape_cast %swap3A_751 : vector<1x16xf32> to vector<16xf32>
      %swap3A_753 = vector.shape_cast %get3A_6 : vector<16xf32> to vector<1x16xf32>
      tpu.vector_store %arg5[%swap3A_749, %swap3A_750], %swap3A_753 {strides = array<i32>} : memref<256x128xf32, #tpu.memory_space<vmem>>, vector<1x16xf32>,
      %mul3A_754 = arith.constant 8 : i32
      %mul3A_755 = arith.muli %scan3A_457, %mul3A_754 : i32
      %add3A_756 = arith.constant 4 : i32
      %add3A_757 = arith.addi %mul3A_755, %add3A_756 : i32
      %swap3A_758 = arith.index_cast %add3A_757 : i32 to index
      %swap3A_759 = arith.constant 16 : index
      %swap3A_760 = tpu.vector_load %arg5[%swap3A_758, %swap3A_759] {strides = array<i32>} : memref<256x128xf32, #tpu.memory_space<vmem>>, vector<1x16xf32>,
      %swap3A_761 = vector.shape_cast %swap3A_760 : vector<1x16xf32> to vector<16xf32>
      %swap3A_762 = vector.shape_cast %get3A_11 : vector<16xf32> to vector<1x16xf32>
      tpu.vector_store %arg5[%swap3A_758, %swap3A_759], %swap3A_762 {strides = array<i32>} : memref<256x128xf32, #tpu.memory_space<vmem>>, vector<1x16xf32>,
      %mul3A_763 = arith.constant 8 : i32
      %mul3A_764 = arith.muli %scan3A_457, %mul3A_763 : i32
      %add3A_765 = arith.constant 4 : i32
      %add3A_766 = arith.addi %mul3A_764, %add3A_765 : i32
      %swap3A_767 = arith.index_cast %add3A_766 : i32 to index
      %swap3A_768 = arith.constant 32 : index
      %swap3A_769 = tpu.vector_load %arg5[%swap3A_767, %swap3A_768] {strides = array<i32>} : memref<256x128xf32, #tpu.memory_space<vmem>>, vector<1x16xf32>,
      %swap3A_770 = vector.shape_cast %swap3A_769 : vector<1x16xf32> to vector<16xf32>
      %swap3A_771 = vector.shape_cast %get3A_16 : vector<16xf32> to vector<1x16xf32>
      tpu.vector_store %arg5[%swap3A_767, %swap3A_768], %swap3A_771 {strides = array<i32>} : memref<256x128xf32, #tpu.memory_space<vmem>>, vector<1x16xf32>,
      %mul3A_772 = arith.constant 8 : i32
      %mul3A_773 = arith.muli %scan3A_457, %mul3A_772 : i32
      %add3A_774 = arith.constant 4 : i32
      %add3A_775 = arith.addi %mul3A_773, %add3A_774 : i32
      %swap3A_776 = arith.index_cast %add3A_775 : i32 to index
      %swap3A_777 = arith.constant 48 : index
      %swap3A_778 = tpu.vector_load %arg5[%swap3A_776, %swap3A_777] {strides = array<i32>} : memref<256x128xf32, #tpu.memory_space<vmem>>, vector<1x16xf32>,
      %swap3A_779 = vector.shape_cast %swap3A_778 : vector<1x16xf32> to vector<16xf32>
      %swap3A_780 = vector.shape_cast %get3A_21 : vector<16xf32> to vector<1x16xf32>
      tpu.vector_store %arg5[%swap3A_776, %swap3A_777], %swap3A_780 {strides = array<i32>} : memref<256x128xf32, #tpu.memory_space<vmem>>, vector<1x16xf32>,
      %mul3A_781 = arith.constant 8 : i32
      %mul3A_782 = arith.muli %scan3A_457, %mul3A_781 : i32
      %add3A_783 = arith.constant 4 : i32
      %add3A_784 = arith.addi %mul3A_782, %add3A_783 : i32
      %swap3A_785 = arith.index_cast %add3A_784 : i32 to index
      %swap3A_786 = arith.constant 64 : index
      %swap3A_787 = tpu.vector_load %arg5[%swap3A_785, %swap3A_786] {strides = array<i32>} : memref<256x128xf32, #tpu.memory_space<vmem>>, vector<1x16xf32>,
      %swap3A_788 = vector.shape_cast %swap3A_787 : vector<1x16xf32> to vector<16xf32>
      %swap3A_789 = vector.shape_cast %get3A_26 : vector<16xf32> to vector<1x16xf32>
      tpu.vector_store %arg5[%swap3A_785, %swap3A_786], %swap3A_789 {strides = array<i32>} : memref<256x128xf32, #tpu.memory_space<vmem>>, vector<1x16xf32>,
      %mul3A_790 = arith.constant 8 : i32
      %mul3A_791 = arith.muli %scan3A_457, %mul3A_790 : i32
      %add3A_792 = arith.constant 4 : i32
      %add3A_793 = arith.addi %mul3A_791, %add3A_792 : i32
      %swap3A_794 = arith.index_cast %add3A_793 : i32 to index
      %swap3A_795 = arith.constant 80 : index
      %swap3A_796 = tpu.vector_load %arg5[%swap3A_794, %swap3A_795] {strides = array<i32>} : memref<256x128xf32, #tpu.memory_space<vmem>>, vector<1x16xf32>,
      %swap3A_797 = vector.shape_cast %swap3A_796 : vector<1x16xf32> to vector<16xf32>
      %swap3A_798 = vector.shape_cast %get3A_31 : vector<16xf32> to vector<1x16xf32>
      tpu.vector_store %arg5[%swap3A_794, %swap3A_795], %swap3A_798 {strides = array<i32>} : memref<256x128xf32, #tpu.memory_space<vmem>>, vector<1x16xf32>,
      %mul3A_799 = arith.constant 8 : i32
      %mul3A_800 = arith.muli %scan3A_457, %mul3A_799 : i32
      %add3A_801 = arith.constant 4 : i32
      %add3A_802 = arith.addi %mul3A_800, %add3A_801 : i32
      %swap3A_803 = arith.index_cast %add3A_802 : i32 to index
      %swap3A_804 = arith.constant 96 : index
      %swap3A_805 = tpu.vector_load %arg5[%swap3A_803, %swap3A_804] {strides = array<i32>} : memref<256x128xf32, #tpu.memory_space<vmem>>, vector<1x16xf32>,
      %swap3A_806 = vector.shape_cast %swap3A_805 : vector<1x16xf32> to vector<16xf32>
      %swap3A_807 = vector.shape_cast %get3A_36 : vector<16xf32> to vector<1x16xf32>
      tpu.vector_store %arg5[%swap3A_803, %swap3A_804], %swap3A_807 {strides = array<i32>} : memref<256x128xf32, #tpu.memory_space<vmem>>, vector<1x16xf32>,
      %mul3A_808 = arith.constant 8 : i32
      %mul3A_809 = arith.muli %scan3A_457, %mul3A_808 : i32
      %add3A_810 = arith.constant 4 : i32
      %add3A_811 = arith.addi %mul3A_809, %add3A_810 : i32
      %swap3A_812 = arith.index_cast %add3A_811 : i32 to index
      %swap3A_813 = arith.constant 112 : index
      %swap3A_814 = tpu.vector_load %arg5[%swap3A_812, %swap3A_813] {strides = array<i32>} : memref<256x128xf32, #tpu.memory_space<vmem>>, vector<1x16xf32>,
      %swap3A_815 = vector.shape_cast %swap3A_814 : vector<1x16xf32> to vector<16xf32>
      %swap3A_816 = vector.shape_cast %get3A_41 : vector<16xf32> to vector<1x16xf32>
      tpu.vector_store %arg5[%swap3A_812, %swap3A_813], %swap3A_816 {strides = array<i32>} : memref<256x128xf32, #tpu.memory_space<vmem>>, vector<1x16xf32>,
      %mul3A_817 = arith.constant 8 : i32
      %mul3A_818 = arith.muli %scan3A_457, %mul3A_817 : i32
      %add3A_819 = arith.constant 5 : i32
      %add3A_820 = arith.addi %mul3A_818, %add3A_819 : i32
      %swap3A_821 = arith.index_cast %add3A_820 : i32 to index
      %swap3A_822 = arith.constant 0 : index
      %swap3A_823 = tpu.vector_load %arg5[%swap3A_821, %swap3A_822] {strides = array<i32>} : memref<256x128xf32, #tpu.memory_space<vmem>>, vector<1x16xf32>,
      %swap3A_824 = vector.shape_cast %swap3A_823 : vector<1x16xf32> to vector<16xf32>
      %swap3A_825 = vector.shape_cast %get3A_6 : vector<16xf32> to vector<1x16xf32>
      tpu.vector_store %arg5[%swap3A_821, %swap3A_822], %swap3A_825 {strides = array<i32>} : memref<256x128xf32, #tpu.memory_space<vmem>>, vector<1x16xf32>,
      %mul3A_826 = arith.constant 8 : i32
      %mul3A_827 = arith.muli %scan3A_457, %mul3A_826 : i32
      %add3A_828 = arith.constant 5 : i32
      %add3A_829 = arith.addi %mul3A_827, %add3A_828 : i32
      %swap3A_830 = arith.index_cast %add3A_829 : i32 to index
      %swap3A_831 = arith.constant 16 : index
      %swap3A_832 = tpu.vector_load %arg5[%swap3A_830, %swap3A_831] {strides = array<i32>} : memref<256x128xf32, #tpu.memory_space<vmem>>, vector<1x16xf32>,
      %swap3A_833 = vector.shape_cast %swap3A_832 : vector<1x16xf32> to vector<16xf32>
      %swap3A_834 = vector.shape_cast %get3A_11 : vector<16xf32> to vector<1x16xf32>
      tpu.vector_store %arg5[%swap3A_830, %swap3A_831], %swap3A_834 {strides = array<i32>} : memref<256x128xf32, #tpu.memory_space<vmem>>, vector<1x16xf32>,
      %mul3A_835 = arith.constant 8 : i32
      %mul3A_836 = arith.muli %scan3A_457, %mul3A_835 : i32
      %add3A_837 = arith.constant 5 : i32
      %add3A_838 = arith.addi %mul3A_836, %add3A_837 : i32
      %swap3A_839 = arith.index_cast %add3A_838 : i32 to index
      %swap3A_840 = arith.constant 32 : index
      %swap3A_841 = tpu.vector_load %arg5[%swap3A_839, %swap3A_840] {strides = array<i32>} : memref<256x128xf32, #tpu.memory_space<vmem>>, vector<1x16xf32>,
      %swap3A_842 = vector.shape_cast %swap3A_841 : vector<1x16xf32> to vector<16xf32>
      %swap3A_843 = vector.shape_cast %get3A_16 : vector<16xf32> to vector<1x16xf32>
      tpu.vector_store %arg5[%swap3A_839, %swap3A_840], %swap3A_843 {strides = array<i32>} : memref<256x128xf32, #tpu.memory_space<vmem>>, vector<1x16xf32>,
      %mul3A_844 = arith.constant 8 : i32
      %mul3A_845 = arith.muli %scan3A_457, %mul3A_844 : i32
      %add3A_846 = arith.constant 5 : i32
      %add3A_847 = arith.addi %mul3A_845, %add3A_846 : i32
      %swap3A_848 = arith.index_cast %add3A_847 : i32 to index
      %swap3A_849 = arith.constant 48 : index
      %swap3A_850 = tpu.vector_load %arg5[%swap3A_848, %swap3A_849] {strides = array<i32>} : memref<256x128xf32, #tpu.memory_space<vmem>>, vector<1x16xf32>,
      %swap3A_851 = vector.shape_cast %swap3A_850 : vector<1x16xf32> to vector<16xf32>
      %swap3A_852 = vector.shape_cast %get3A_21 : vector<16xf32> to vector<1x16xf32>
      tpu.vector_store %arg5[%swap3A_848, %swap3A_849], %swap3A_852 {strides = array<i32>} : memref<256x128xf32, #tpu.memory_space<vmem>>, vector<1x16xf32>,
      %mul3A_853 = arith.constant 8 : i32
      %mul3A_854 = arith.muli %scan3A_457, %mul3A_853 : i32
      %add3A_855 = arith.constant 5 : i32
      %add3A_856 = arith.addi %mul3A_854, %add3A_855 : i32
      %swap3A_857 = arith.index_cast %add3A_856 : i32 to index
      %swap3A_858 = arith.constant 64 : index
      %swap3A_859 = tpu.vector_load %arg5[%swap3A_857, %swap3A_858] {strides = array<i32>} : memref<256x128xf32, #tpu.memory_space<vmem>>, vector<1x16xf32>,
      %swap3A_860 = vector.shape_cast %swap3A_859 : vector<1x16xf32> to vector<16xf32>
      %swap3A_861 = vector.shape_cast %get3A_26 : vector<16xf32> to vector<1x16xf32>
      tpu.vector_store %arg5[%swap3A_857, %swap3A_858], %swap3A_861 {strides = array<i32>} : memref<256x128xf32, #tpu.memory_space<vmem>>, vector<1x16xf32>,
      %mul3A_862 = arith.constant 8 : i32
      %mul3A_863 = arith.muli %scan3A_457, %mul3A_862 : i32
      %add3A_864 = arith.constant 5 : i32
      %add3A_865 = arith.addi %mul3A_863, %add3A_864 : i32
      %swap3A_866 = arith.index_cast %add3A_865 : i32 to index
      %swap3A_867 = arith.constant 80 : index
      %swap3A_868 = tpu.vector_load %arg5[%swap3A_866, %swap3A_867] {strides = array<i32>} : memref<256x128xf32, #tpu.memory_space<vmem>>, vector<1x16xf32>,
      %swap3A_869 = vector.shape_cast %swap3A_868 : vector<1x16xf32> to vector<16xf32>
      %swap3A_870 = vector.shape_cast %get3A_31 : vector<16xf32> to vector<1x16xf32>
      tpu.vector_store %arg5[%swap3A_866, %swap3A_867], %swap3A_870 {strides = array<i32>} : memref<256x128xf32, #tpu.memory_space<vmem>>, vector<1x16xf32>,
      %mul3A_871 = arith.constant 8 : i32
      %mul3A_872 = arith.muli %scan3A_457, %mul3A_871 : i32
      %add3A_873 = arith.constant 5 : i32
      %add3A_874 = arith.addi %mul3A_872, %add3A_873 : i32
      %swap3A_875 = arith.index_cast %add3A_874 : i32 to index
      %swap3A_876 = arith.constant 96 : index
      %swap3A_877 = tpu.vector_load %arg5[%swap3A_875, %swap3A_876] {strides = array<i32>} : memref<256x128xf32, #tpu.memory_space<vmem>>, vector<1x16xf32>,
      %swap3A_878 = vector.shape_cast %swap3A_877 : vector<1x16xf32> to vector<16xf32>
      %swap3A_879 = vector.shape_cast %get3A_36 : vector<16xf32> to vector<1x16xf32>
      tpu.vector_store %arg5[%swap3A_875, %swap3A_876], %swap3A_879 {strides = array<i32>} : memref<256x128xf32, #tpu.memory_space<vmem>>, vector<1x16xf32>,
      %mul3A_880 = arith.constant 8 : i32
      %mul3A_881 = arith.muli %scan3A_457, %mul3A_880 : i32
      %add3A_882 = arith.constant 5 : i32
      %add3A_883 = arith.addi %mul3A_881, %add3A_882 : i32
      %swap3A_884 = arith.index_cast %add3A_883 : i32 to index
      %swap3A_885 = arith.constant 112 : index
      %swap3A_886 = tpu.vector_load %arg5[%swap3A_884, %swap3A_885] {strides = array<i32>} : memref<256x128xf32, #tpu.memory_space<vmem>>, vector<1x16xf32>,
      %swap3A_887 = vector.shape_cast %swap3A_886 : vector<1x16xf32> to vector<16xf32>
      %swap3A_888 = vector.shape_cast %get3A_41 : vector<16xf32> to vector<1x16xf32>
      tpu.vector_store %arg5[%swap3A_884, %swap3A_885], %swap3A_888 {strides = array<i32>} : memref<256x128xf32, #tpu.memory_space<vmem>>, vector<1x16xf32>,
      %mul3A_889 = arith.constant 8 : i32
      %mul3A_890 = arith.muli %scan3A_457, %mul3A_889 : i32
      %add3A_891 = arith.constant 6 : i32
      %add3A_892 = arith.addi %mul3A_890, %add3A_891 : i32
      %swap3A_893 = arith.index_cast %add3A_892 : i32 to index
      %swap3A_894 = arith.constant 0 : index
      %swap3A_895 = tpu.vector_load %arg5[%swap3A_893, %swap3A_894] {strides = array<i32>} : memref<256x128xf32, #tpu.memory_space<vmem>>, vector<1x16xf32>,
      %swap3A_896 = vector.shape_cast %swap3A_895 : vector<1x16xf32> to vector<16xf32>
      %swap3A_897 = vector.shape_cast %get3A_6 : vector<16xf32> to vector<1x16xf32>
      tpu.vector_store %arg5[%swap3A_893, %swap3A_894], %swap3A_897 {strides = array<i32>} : memref<256x128xf32, #tpu.memory_space<vmem>>, vector<1x16xf32>,
      %mul3A_898 = arith.constant 8 : i32
      %mul3A_899 = arith.muli %scan3A_457, %mul3A_898 : i32
      %add3A_900 = arith.constant 6 : i32
      %add3A_901 = arith.addi %mul3A_899, %add3A_900 : i32
      %swap3A_902 = arith.index_cast %add3A_901 : i32 to index
      %swap3A_903 = arith.constant 16 : index
      %swap3A_904 = tpu.vector_load %arg5[%swap3A_902, %swap3A_903] {strides = array<i32>} : memref<256x128xf32, #tpu.memory_space<vmem>>, vector<1x16xf32>,
      %swap3A_905 = vector.shape_cast %swap3A_904 : vector<1x16xf32> to vector<16xf32>
      %swap3A_906 = vector.shape_cast %get3A_11 : vector<16xf32> to vector<1x16xf32>
      tpu.vector_store %arg5[%swap3A_902, %swap3A_903], %swap3A_906 {strides = array<i32>} : memref<256x128xf32, #tpu.memory_space<vmem>>, vector<1x16xf32>,
      %mul3A_907 = arith.constant 8 : i32
      %mul3A_908 = arith.muli %scan3A_457, %mul3A_907 : i32
      %add3A_909 = arith.constant 6 : i32
      %add3A_910 = arith.addi %mul3A_908, %add3A_909 : i32
      %swap3A_911 = arith.index_cast %add3A_910 : i32 to index
      %swap3A_912 = arith.constant 32 : index
      %swap3A_913 = tpu.vector_load %arg5[%swap3A_911, %swap3A_912] {strides = array<i32>} : memref<256x128xf32, #tpu.memory_space<vmem>>, vector<1x16xf32>,
      %swap3A_914 = vector.shape_cast %swap3A_913 : vector<1x16xf32> to vector<16xf32>
      %swap3A_915 = vector.shape_cast %get3A_16 : vector<16xf32> to vector<1x16xf32>
      tpu.vector_store %arg5[%swap3A_911, %swap3A_912], %swap3A_915 {strides = array<i32>} : memref<256x128xf32, #tpu.memory_space<vmem>>, vector<1x16xf32>,
      %mul3A_916 = arith.constant 8 : i32
      %mul3A_917 = arith.muli %scan3A_457, %mul3A_916 : i32
      %add3A_918 = arith.constant 6 : i32
      %add3A_919 = arith.addi %mul3A_917, %add3A_918 : i32
      %swap3A_920 = arith.index_cast %add3A_919 : i32 to index
      %swap3A_921 = arith.constant 48 : index
      %swap3A_922 = tpu.vector_load %arg5[%swap3A_920, %swap3A_921] {strides = array<i32>} : memref<256x128xf32, #tpu.memory_space<vmem>>, vector<1x16xf32>,
      %swap3A_923 = vector.shape_cast %swap3A_922 : vector<1x16xf32> to vector<16xf32>
      %swap3A_924 = vector.shape_cast %get3A_21 : vector<16xf32> to vector<1x16xf32>
      tpu.vector_store %arg5[%swap3A_920, %swap3A_921], %swap3A_924 {strides = array<i32>} : memref<256x128xf32, #tpu.memory_space<vmem>>, vector<1x16xf32>,
      %mul3A_925 = arith.constant 8 : i32
      %mul3A_926 = arith.muli %scan3A_457, %mul3A_925 : i32
      %add3A_927 = arith.constant 6 : i32
      %add3A_928 = arith.addi %mul3A_926, %add3A_927 : i32
      %swap3A_929 = arith.index_cast %add3A_928 : i32 to index
      %swap3A_930 = arith.constant 64 : index
      %swap3A_931 = tpu.vector_load %arg5[%swap3A_929, %swap3A_930] {strides = array<i32>} : memref<256x128xf32, #tpu.memory_space<vmem>>, vector<1x16xf32>,
      %swap3A_932 = vector.shape_cast %swap3A_931 : vector<1x16xf32> to vector<16xf32>
      %swap3A_933 = vector.shape_cast %get3A_26 : vector<16xf32> to vector<1x16xf32>
      tpu.vector_store %arg5[%swap3A_929, %swap3A_930], %swap3A_933 {strides = array<i32>} : memref<256x128xf32, #tpu.memory_space<vmem>>, vector<1x16xf32>,
      %mul3A_934 = arith.constant 8 : i32
      %mul3A_935 = arith.muli %scan3A_457, %mul3A_934 : i32
      %add3A_936 = arith.constant 6 : i32
      %add3A_937 = arith.addi %mul3A_935, %add3A_936 : i32
      %swap3A_938 = arith.index_cast %add3A_937 : i32 to index
      %swap3A_939 = arith.constant 80 : index
      %swap3A_940 = tpu.vector_load %arg5[%swap3A_938, %swap3A_939] {strides = array<i32>} : memref<256x128xf32, #tpu.memory_space<vmem>>, vector<1x16xf32>,
      %swap3A_941 = vector.shape_cast %swap3A_940 : vector<1x16xf32> to vector<16xf32>
      %swap3A_942 = vector.shape_cast %get3A_31 : vector<16xf32> to vector<1x16xf32>
      tpu.vector_store %arg5[%swap3A_938, %swap3A_939], %swap3A_942 {strides = array<i32>} : memref<256x128xf32, #tpu.memory_space<vmem>>, vector<1x16xf32>,
      %mul3A_943 = arith.constant 8 : i32
      %mul3A_944 = arith.muli %scan3A_457, %mul3A_943 : i32
      %add3A_945 = arith.constant 6 : i32
      %add3A_946 = arith.addi %mul3A_944, %add3A_945 : i32
      %swap3A_947 = arith.index_cast %add3A_946 : i32 to index
      %swap3A_948 = arith.constant 96 : index
      %swap3A_949 = tpu.vector_load %arg5[%swap3A_947, %swap3A_948] {strides = array<i32>} : memref<256x128xf32, #tpu.memory_space<vmem>>, vector<1x16xf32>,
      %swap3A_950 = vector.shape_cast %swap3A_949 : vector<1x16xf32> to vector<16xf32>
      %swap3A_951 = vector.shape_cast %get3A_36 : vector<16xf32> to vector<1x16xf32>
      tpu.vector_store %arg5[%swap3A_947, %swap3A_948], %swap3A_951 {strides = array<i32>} : memref<256x128xf32, #tpu.memory_space<vmem>>, vector<1x16xf32>,
      %mul3A_952 = arith.constant 8 : i32
      %mul3A_953 = arith.muli %scan3A_457, %mul3A_952 : i32
      %add3A_954 = arith.constant 6 : i32
      %add3A_955 = arith.addi %mul3A_953, %add3A_954 : i32
      %swap3A_956 = arith.index_cast %add3A_955 : i32 to index
      %swap3A_957 = arith.constant 112 : index
      %swap3A_958 = tpu.vector_load %arg5[%swap3A_956, %swap3A_957] {strides = array<i32>} : memref<256x128xf32, #tpu.memory_space<vmem>>, vector<1x16xf32>,
      %swap3A_959 = vector.shape_cast %swap3A_958 : vector<1x16xf32> to vector<16xf32>
      %swap3A_960 = vector.shape_cast %get3A_41 : vector<16xf32> to vector<1x16xf32>
      tpu.vector_store %arg5[%swap3A_956, %swap3A_957], %swap3A_960 {strides = array<i32>} : memref<256x128xf32, #tpu.memory_space<vmem>>, vector<1x16xf32>,
      %mul3A_961 = arith.constant 8 : i32
      %mul3A_962 = arith.muli %scan3A_457, %mul3A_961 : i32
      %add3A_963 = arith.constant 7 : i32
      %add3A_964 = arith.addi %mul3A_962, %add3A_963 : i32
      %swap3A_965 = arith.index_cast %add3A_964 : i32 to index
      %swap3A_966 = arith.constant 0 : index
      %swap3A_967 = tpu.vector_load %arg5[%swap3A_965, %swap3A_966] {strides = array<i32>} : memref<256x128xf32, #tpu.memory_space<vmem>>, vector<1x16xf32>,
      %swap3A_968 = vector.shape_cast %swap3A_967 : vector<1x16xf32> to vector<16xf32>
      %swap3A_969 = vector.shape_cast %get3A_6 : vector<16xf32> to vector<1x16xf32>
      tpu.vector_store %arg5[%swap3A_965, %swap3A_966], %swap3A_969 {strides = array<i32>} : memref<256x128xf32, #tpu.memory_space<vmem>>, vector<1x16xf32>,
      %mul3A_970 = arith.constant 8 : i32
      %mul3A_971 = arith.muli %scan3A_457, %mul3A_970 : i32
      %add3A_972 = arith.constant 7 : i32
      %add3A_973 = arith.addi %mul3A_971, %add3A_972 : i32
      %swap3A_974 = arith.index_cast %add3A_973 : i32 to index
      %swap3A_975 = arith.constant 16 : index
      %swap3A_976 = tpu.vector_load %arg5[%swap3A_974, %swap3A_975] {strides = array<i32>} : memref<256x128xf32, #tpu.memory_space<vmem>>, vector<1x16xf32>,
      %swap3A_977 = vector.shape_cast %swap3A_976 : vector<1x16xf32> to vector<16xf32>
      %swap3A_978 = vector.shape_cast %get3A_11 : vector<16xf32> to vector<1x16xf32>
      tpu.vector_store %arg5[%swap3A_974, %swap3A_975], %swap3A_978 {strides = array<i32>} : memref<256x128xf32, #tpu.memory_space<vmem>>, vector<1x16xf32>,
      %mul3A_979 = arith.constant 8 : i32
      %mul3A_980 = arith.muli %scan3A_457, %mul3A_979 : i32
      %add3A_981 = arith.constant 7 : i32
      %add3A_982 = arith.addi %mul3A_980, %add3A_981 : i32
      %swap3A_983 = arith.index_cast %add3A_982 : i32 to index
      %swap3A_984 = arith.constant 32 : index
      %swap3A_985 = tpu.vector_load %arg5[%swap3A_983, %swap3A_984] {strides = array<i32>} : memref<256x128xf32, #tpu.memory_space<vmem>>, vector<1x16xf32>,
      %swap3A_986 = vector.shape_cast %swap3A_985 : vector<1x16xf32> to vector<16xf32>
      %swap3A_987 = vector.shape_cast %get3A_16 : vector<16xf32> to vector<1x16xf32>
      tpu.vector_store %arg5[%swap3A_983, %swap3A_984], %swap3A_987 {strides = array<i32>} : memref<256x128xf32, #tpu.memory_space<vmem>>, vector<1x16xf32>,
      %mul3A_988 = arith.constant 8 : i32
      %mul3A_989 = arith.muli %scan3A_457, %mul3A_988 : i32
      %add3A_990 = arith.constant 7 : i32
      %add3A_991 = arith.addi %mul3A_989, %add3A_990 : i32
      %swap3A_992 = arith.index_cast %add3A_991 : i32 to index
      %swap3A_993 = arith.constant 48 : index
      %swap3A_994 = tpu.vector_load %arg5[%swap3A_992, %swap3A_993] {strides = array<i32>} : memref<256x128xf32, #tpu.memory_space<vmem>>, vector<1x16xf32>,
      %swap3A_995 = vector.shape_cast %swap3A_994 : vector<1x16xf32> to vector<16xf32>
      %swap3A_996 = vector.shape_cast %get3A_21 : vector<16xf32> to vector<1x16xf32>
      tpu.vector_store %arg5[%swap3A_992, %swap3A_993], %swap3A_996 {strides = array<i32>} : memref<256x128xf32, #tpu.memory_space<vmem>>, vector<1x16xf32>,
      %mul3A_997 = arith.constant 8 : i32
      %mul3A_998 = arith.muli %scan3A_457, %mul3A_997 : i32
      %add3A_999 = arith.constant 7 : i32
      %add3A_1000 = arith.addi %mul3A_998, %add3A_999 : i32
      %swap3A_1001 = arith.index_cast %add3A_1000 : i32 to index
      %swap3A_1002 = arith.constant 64 : index
      %swap3A_1003 = tpu.vector_load %arg5[%swap3A_1001, %swap3A_1002] {strides = array<i32>} : memref<256x128xf32, #tpu.memory_space<vmem>>, vector<1x16xf32>,
      %swap3A_1004 = vector.shape_cast %swap3A_1003 : vector<1x16xf32> to vector<16xf32>
      %swap3A_1005 = vector.shape_cast %get3A_26 : vector<16xf32> to vector<1x16xf32>
      tpu.vector_store %arg5[%swap3A_1001, %swap3A_1002], %swap3A_1005 {strides = array<i32>} : memref<256x128xf32, #tpu.memory_space<vmem>>, vector<1x16xf32>,
      %mul3A_1006 = arith.constant 8 : i32
      %mul3A_1007 = arith.muli %scan3A_457, %mul3A_1006 : i32
      %add3A_1008 = arith.constant 7 : i32
      %add3A_1009 = arith.addi %mul3A_1007, %add3A_1008 : i32
      %swap3A_1010 = arith.index_cast %add3A_1009 : i32 to index
      %swap3A_1011 = arith.constant 80 : index
      %swap3A_1012 = tpu.vector_load %arg5[%swap3A_1010, %swap3A_1011] {strides = array<i32>} : memref<256x128xf32, #tpu.memory_space<vmem>>, vector<1x16xf32>,
      %swap3A_1013 = vector.shape_cast %swap3A_1012 : vector<1x16xf32> to vector<16xf32>
      %swap3A_1014 = vector.shape_cast %get3A_31 : vector<16xf32> to vector<1x16xf32>
      tpu.vector_store %arg5[%swap3A_1010, %swap3A_1011], %swap3A_1014 {strides = array<i32>} : memref<256x128xf32, #tpu.memory_space<vmem>>, vector<1x16xf32>,
      %mul3A_1015 = arith.constant 8 : i32
      %mul3A_1016 = arith.muli %scan3A_457, %mul3A_1015 : i32
      %add3A_1017 = arith.constant 7 : i32
      %add3A_1018 = arith.addi %mul3A_1016, %add3A_1017 : i32
      %swap3A_1019 = arith.index_cast %add3A_1018 : i32 to index
      %swap3A_1020 = arith.constant 96 : index
      %swap3A_1021 = tpu.vector_load %arg5[%swap3A_1019, %swap3A_1020] {strides = array<i32>} : memref<256x128xf32, #tpu.memory_space<vmem>>, vector<1x16xf32>,
      %swap3A_1022 = vector.shape_cast %swap3A_1021 : vector<1x16xf32> to vector<16xf32>
      %swap3A_1023 = vector.shape_cast %get3A_36 : vector<16xf32> to vector<1x16xf32>
      tpu.vector_store %arg5[%swap3A_1019, %swap3A_1020], %swap3A_1023 {strides = array<i32>} : memref<256x128xf32, #tpu.memory_space<vmem>>, vector<1x16xf32>,
      %mul3A_1024 = arith.constant 8 : i32
      %mul3A_1025 = arith.muli %scan3A_457, %mul3A_1024 : i32
      %add3A_1026 = arith.constant 7 : i32
      %add3A_1027 = arith.addi %mul3A_1025, %add3A_1026 : i32
      %swap3A_1028 = arith.index_cast %add3A_1027 : i32 to index
      %swap3A_1029 = arith.constant 112 : index
      %swap3A_1030 = tpu.vector_load %arg5[%swap3A_1028, %swap3A_1029] {strides = array<i32>} : memref<256x128xf32, #tpu.memory_space<vmem>>, vector<1x16xf32>,
      %swap3A_1031 = vector.shape_cast %swap3A_1030 : vector<1x16xf32> to vector<16xf32>
      %swap3A_1032 = vector.shape_cast %get3A_41 : vector<16xf32> to vector<1x16xf32>
      tpu.vector_store %arg5[%swap3A_1028, %swap3A_1029], %swap3A_1032 {strides = array<i32>} : memref<256x128xf32, #tpu.memory_space<vmem>>, vector<1x16xf32>,
    }
    %scan3A_46 = arith.constant 32 : i32
    %add3A_47 = arith.constant 0 : i32
    %add3A_48 = arith.addi %mul3A_2, %add3A_47 : i32
    %add3A_49 = arith.constant 256 : i32
    %add3A_50 = arith.addi %mul3A_2, %add3A_49 : i32
    %add3A_51 = arith.constant 512 : i32
    %add3A_52 = arith.addi %mul3A_2, %add3A_51 : i32
    %add3A_53 = arith.constant 768 : i32
    %add3A_54 = arith.addi %mul3A_2, %add3A_53 : i32
    %add3A_55 = arith.constant 1024 : i32
    %add3A_56 = arith.addi %mul3A_2, %add3A_55 : i32
    %add3A_57 = arith.constant 1280 : i32
    %add3A_58 = arith.addi %mul3A_2, %add3A_57 : i32
    %add3A_59 = arith.constant 1536 : i32
    %add3A_60 = arith.addi %mul3A_2, %add3A_59 : i32
    %add3A_61 = arith.constant 1792 : i32
    %add3A_62 = arith.addi %mul3A_2, %add3A_61 : i32
    %add3A_63 = arith.constant 2048 : i32
    %add3A_64 = arith.addi %mul3A_2, %add3A_63 : i32
    %add3A_65 = arith.constant 2304 : i32
    %add3A_66 = arith.addi %mul3A_2, %add3A_65 : i32
    %add3A_67 = arith.constant 2560 : i32
    %add3A_68 = arith.addi %mul3A_2, %add3A_67 : i32
    %add3A_69 = arith.constant 2816 : i32
    %add3A_70 = arith.addi %mul3A_2, %add3A_69 : i32
    %add3A_71 = arith.constant 3072 : i32
    %add3A_72 = arith.addi %mul3A_2, %add3A_71 : i32
    %add3A_73 = arith.constant 3328 : i32
    %add3A_74 = arith.addi %mul3A_2, %add3A_73 : i32
    %add3A_75 = arith.constant 3584 : i32
    %add3A_76 = arith.addi %mul3A_2, %add3A_75 : i32
    %add3A_77 = arith.constant 3840 : i32
    %add3A_78 = arith.addi %mul3A_2, %add3A_77 : i32
    %add3A_79 = arith.constant 4096 : i32
    %add3A_80 = arith.addi %mul3A_2, %add3A_79 : i32
    %add3A_81 = arith.constant 4352 : i32
    %add3A_82 = arith.addi %mul3A_2, %add3A_81 : i32
    %add3A_83 = arith.constant 4608 : i32
    %add3A_84 = arith.addi %mul3A_2, %add3A_83 : i32
    %add3A_85 = arith.constant 4864 : i32
    %add3A_86 = arith.addi %mul3A_2, %add3A_85 : i32
    %add3A_87 = arith.constant 5120 : i32
    %add3A_88 = arith.addi %mul3A_2, %add3A_87 : i32
    %add3A_89 = arith.constant 5376 : i32
    %add3A_90 = arith.addi %mul3A_2, %add3A_89 : i32
    %add3A_91 = arith.constant 5632 : i32
    %add3A_92 = arith.addi %mul3A_2, %add3A_91 : i32
    %add3A_93 = arith.constant 5888 : i32
    %add3A_94 = arith.addi %mul3A_2, %add3A_93 : i32
    %add3A_95 = arith.constant 6144 : i32
    %add3A_96 = arith.addi %mul3A_2, %add3A_95 : i32
    %add3A_97 = arith.constant 6400 : i32
    %add3A_98 = arith.addi %mul3A_2, %add3A_97 : i32
    %add3A_99 = arith.constant 6656 : i32
    %add3A_100 = arith.addi %mul3A_2, %add3A_99 : i32
    %add3A_101 = arith.constant 6912 : i32
    %add3A_102 = arith.addi %mul3A_2, %add3A_101 : i32
    %add3A_103 = arith.constant 7168 : i32
    %add3A_104 = arith.addi %mul3A_2, %add3A_103 : i32
    %add3A_105 = arith.constant 7424 : i32
    %add3A_106 = arith.addi %mul3A_2, %add3A_105 : i32
    %add3A_107 = arith.constant 7680 : i32
    %add3A_108 = arith.addi %mul3A_2, %add3A_107 : i32
    %add3A_109 = arith.constant 7936 : i32
    %add3A_110 = arith.addi %mul3A_2, %add3A_109 : i32
    %add3A_111 = arith.constant 8192 : i32
    %add3A_112 = arith.addi %mul3A_2, %add3A_111 : i32
    %add3A_113 = arith.constant 8448 : i32
    %add3A_114 = arith.addi %mul3A_2, %add3A_113 : i32
    %add3A_115 = arith.constant 8704 : i32
    %add3A_116 = arith.addi %mul3A_2, %add3A_115 : i32
    %add3A_117 = arith.constant 8960 : i32
    %add3A_118 = arith.addi %mul3A_2, %add3A_117 : i32
    %add3A_119 = arith.constant 9216 : i32
    %add3A_120 = arith.addi %mul3A_2, %add3A_119 : i32
    %add3A_121 = arith.constant 9472 : i32
    %add3A_122 = arith.addi %mul3A_2, %add3A_121 : i32
    %add3A_123 = arith.constant 9728 : i32
    %add3A_124 = arith.addi %mul3A_2, %add3A_123 : i32
    %add3A_125 = arith.constant 9984 : i32
    %add3A_126 = arith.addi %mul3A_2, %add3A_125 : i32
    %dma_start3A = arith.constant 0 : i32
    %dma_start3A_127 = tpu.memref_slice %arg3[%add3A_48, %dma_start3A] : memref<320000x128xf32, #tpu.memory_space<hbm>> -> memref<256x128xf32, #tpu.memory_space<hbm>>
    %dma_start3A_128 = arith.constant 0 : i32
    %dma_start3A_129 = tpu.memref_slice %arg3[%add3A_48, %dma_start3A_128] : memref<320000x128xf32, #tpu.memory_space<hbm>> -> memref<256x128xf32, #tpu.memory_space<hbm>>
    tpu.enqueue_dma source(%arg5 : memref<256x128xf32, #tpu.memory_space<vmem>>) target(%dma_start3A_129 : memref<256x128xf32, #tpu.memory_space<hbm>>) target_semaphore(%arg6 : memref<!tpu.dma_semaphore, #tpu.memory_space<semaphore_mem>>)
    %dma_start3A_130 = arith.constant 0 : i32
    %dma_start3A_131 = tpu.memref_slice %arg3[%add3A_50, %dma_start3A_130] : memref<320000x128xf32, #tpu.memory_space<hbm>> -> memref<256x128xf32, #tpu.memory_space<hbm>>
    %dma_start3A_132 = arith.constant 0 : i32
    %dma_start3A_133 = tpu.memref_slice %arg3[%add3A_50, %dma_start3A_132] : memref<320000x128xf32, #tpu.memory_space<hbm>> -> memref<256x128xf32, #tpu.memory_space<hbm>>
    tpu.enqueue_dma source(%arg5 : memref<256x128xf32, #tpu.memory_space<vmem>>) target(%dma_start3A_133 : memref<256x128xf32, #tpu.memory_space<hbm>>) target_semaphore(%arg6 : memref<!tpu.dma_semaphore, #tpu.memory_space<semaphore_mem>>)
    %dma_start3A_134 = arith.constant 0 : i32
    %dma_start3A_135 = tpu.memref_slice %arg3[%add3A_52, %dma_start3A_134] : memref<320000x128xf32, #tpu.memory_space<hbm>> -> memref<256x128xf32, #tpu.memory_space<hbm>>
    %dma_start3A_136 = arith.constant 0 : i32
    %dma_start3A_137 = tpu.memref_slice %arg3[%add3A_52, %dma_start3A_136] : memref<320000x128xf32, #tpu.memory_space<hbm>> -> memref<256x128xf32, #tpu.memory_space<hbm>>
    tpu.enqueue_dma source(%arg5 : memref<256x128xf32, #tpu.memory_space<vmem>>) target(%dma_start3A_137 : memref<256x128xf32, #tpu.memory_space<hbm>>) target_semaphore(%arg6 : memref<!tpu.dma_semaphore, #tpu.memory_space<semaphore_mem>>)
    %dma_start3A_138 = arith.constant 0 : i32
    %dma_start3A_139 = tpu.memref_slice %arg3[%add3A_54, %dma_start3A_138] : memref<320000x128xf32, #tpu.memory_space<hbm>> -> memref<256x128xf32, #tpu.memory_space<hbm>>
    %dma_start3A_140 = arith.constant 0 : i32
    %dma_start3A_141 = tpu.memref_slice %arg3[%add3A_54, %dma_start3A_140] : memref<320000x128xf32, #tpu.memory_space<hbm>> -> memref<256x128xf32, #tpu.memory_space<hbm>>
    tpu.enqueue_dma source(%arg5 : memref<256x128xf32, #tpu.memory_space<vmem>>) target(%dma_start3A_141 : memref<256x128xf32, #tpu.memory_space<hbm>>) target_semaphore(%arg6 : memref<!tpu.dma_semaphore, #tpu.memory_space<semaphore_mem>>)
    %dma_start3A_142 = arith.constant 0 : i32
    %dma_start3A_143 = tpu.memref_slice %arg3[%add3A_56, %dma_start3A_142] : memref<320000x128xf32, #tpu.memory_space<hbm>> -> memref<256x128xf32, #tpu.memory_space<hbm>>
    %dma_start3A_144 = arith.constant 0 : i32
    %dma_start3A_145 = tpu.memref_slice %arg3[%add3A_56, %dma_start3A_144] : memref<320000x128xf32, #tpu.memory_space<hbm>> -> memref<256x128xf32, #tpu.memory_space<hbm>>
    tpu.enqueue_dma source(%arg5 : memref<256x128xf32, #tpu.memory_space<vmem>>) target(%dma_start3A_145 : memref<256x128xf32, #tpu.memory_space<hbm>>) target_semaphore(%arg6 : memref<!tpu.dma_semaphore, #tpu.memory_space<semaphore_mem>>)
    %dma_start3A_146 = arith.constant 0 : i32
    %dma_start3A_147 = tpu.memref_slice %arg3[%add3A_58, %dma_start3A_146] : memref<320000x128xf32, #tpu.memory_space<hbm>> -> memref<256x128xf32, #tpu.memory_space<hbm>>
    %dma_start3A_148 = arith.constant 0 : i32
    %dma_start3A_149 = tpu.memref_slice %arg3[%add3A_58, %dma_start3A_148] : memref<320000x128xf32, #tpu.memory_space<hbm>> -> memref<256x128xf32, #tpu.memory_space<hbm>>
    tpu.enqueue_dma source(%arg5 : memref<256x128xf32, #tpu.memory_space<vmem>>) target(%dma_start3A_149 : memref<256x128xf32, #tpu.memory_space<hbm>>) target_semaphore(%arg6 : memref<!tpu.dma_semaphore, #tpu.memory_space<semaphore_mem>>)
    %dma_start3A_150 = arith.constant 0 : i32
    %dma_start3A_151 = tpu.memref_slice %arg3[%add3A_60, %dma_start3A_150] : memref<320000x128xf32, #tpu.memory_space<hbm>> -> memref<256x128xf32, #tpu.memory_space<hbm>>
    %dma_start3A_152 = arith.constant 0 : i32
    %dma_start3A_153 = tpu.memref_slice %arg3[%add3A_60, %dma_start3A_152] : memref<320000x128xf32, #tpu.memory_space<hbm>> -> memref<256x128xf32, #tpu.memory_space<hbm>>
    tpu.enqueue_dma source(%arg5 : memref<256x128xf32, #tpu.memory_space<vmem>>) target(%dma_start3A_153 : memref<256x128xf32, #tpu.memory_space<hbm>>) target_semaphore(%arg6 : memref<!tpu.dma_semaphore, #tpu.memory_space<semaphore_mem>>)
    %dma_start3A_154 = arith.constant 0 : i32
    %dma_start3A_155 = tpu.memref_slice %arg3[%add3A_62, %dma_start3A_154] : memref<320000x128xf32, #tpu.memory_space<hbm>> -> memref<256x128xf32, #tpu.memory_space<hbm>>
    %dma_start3A_156 = arith.constant 0 : i32
    %dma_start3A_157 = tpu.memref_slice %arg3[%add3A_62, %dma_start3A_156] : memref<320000x128xf32, #tpu.memory_space<hbm>> -> memref<256x128xf32, #tpu.memory_space<hbm>>
    tpu.enqueue_dma source(%arg5 : memref<256x128xf32, #tpu.memory_space<vmem>>) target(%dma_start3A_157 : memref<256x128xf32, #tpu.memory_space<hbm>>) target_semaphore(%arg6 : memref<!tpu.dma_semaphore, #tpu.memory_space<semaphore_mem>>)
    %dma_start3A_158 = arith.constant 0 : i32
    %dma_start3A_159 = tpu.memref_slice %arg3[%add3A_64, %dma_start3A_158] : memref<320000x128xf32, #tpu.memory_space<hbm>> -> memref<256x128xf32, #tpu.memory_space<hbm>>
    %dma_start3A_160 = arith.constant 0 : i32
    %dma_start3A_161 = tpu.memref_slice %arg3[%add3A_64, %dma_start3A_160] : memref<320000x128xf32, #tpu.memory_space<hbm>> -> memref<256x128xf32, #tpu.memory_space<hbm>>
    tpu.enqueue_dma source(%arg5 : memref<256x128xf32, #tpu.memory_space<vmem>>) target(%dma_start3A_161 : memref<256x128xf32, #tpu.memory_space<hbm>>) target_semaphore(%arg6 : memref<!tpu.dma_semaphore, #tpu.memory_space<semaphore_mem>>)
    %dma_start3A_162 = arith.constant 0 : i32
    %dma_start3A_163 = tpu.memref_slice %arg3[%add3A_66, %dma_start3A_162] : memref<320000x128xf32, #tpu.memory_space<hbm>> -> memref<256x128xf32, #tpu.memory_space<hbm>>
    %dma_start3A_164 = arith.constant 0 : i32
    %dma_start3A_165 = tpu.memref_slice %arg3[%add3A_66, %dma_start3A_164] : memref<320000x128xf32, #tpu.memory_space<hbm>> -> memref<256x128xf32, #tpu.memory_space<hbm>>
    tpu.enqueue_dma source(%arg5 : memref<256x128xf32, #tpu.memory_space<vmem>>) target(%dma_start3A_165 : memref<256x128xf32, #tpu.memory_space<hbm>>) target_semaphore(%arg6 : memref<!tpu.dma_semaphore, #tpu.memory_space<semaphore_mem>>)
    %dma_start3A_166 = arith.constant 0 : i32
    %dma_start3A_167 = tpu.memref_slice %arg3[%add3A_68, %dma_start3A_166] : memref<320000x128xf32, #tpu.memory_space<hbm>> -> memref<256x128xf32, #tpu.memory_space<hbm>>
    %dma_start3A_168 = arith.constant 0 : i32
    %dma_start3A_169 = tpu.memref_slice %arg3[%add3A_68, %dma_start3A_168] : memref<320000x128xf32, #tpu.memory_space<hbm>> -> memref<256x128xf32, #tpu.memory_space<hbm>>
    tpu.enqueue_dma source(%arg5 : memref<256x128xf32, #tpu.memory_space<vmem>>) target(%dma_start3A_169 : memref<256x128xf32, #tpu.memory_space<hbm>>) target_semaphore(%arg6 : memref<!tpu.dma_semaphore, #tpu.memory_space<semaphore_mem>>)
    %dma_start3A_170 = arith.constant 0 : i32
    %dma_start3A_171 = tpu.memref_slice %arg3[%add3A_70, %dma_start3A_170] : memref<320000x128xf32, #tpu.memory_space<hbm>> -> memref<256x128xf32, #tpu.memory_space<hbm>>
    %dma_start3A_172 = arith.constant 0 : i32
    %dma_start3A_173 = tpu.memref_slice %arg3[%add3A_70, %dma_start3A_172] : memref<320000x128xf32, #tpu.memory_space<hbm>> -> memref<256x128xf32, #tpu.memory_space<hbm>>
    tpu.enqueue_dma source(%arg5 : memref<256x128xf32, #tpu.memory_space<vmem>>) target(%dma_start3A_173 : memref<256x128xf32, #tpu.memory_space<hbm>>) target_semaphore(%arg6 : memref<!tpu.dma_semaphore, #tpu.memory_space<semaphore_mem>>)
    %dma_start3A_174 = arith.constant 0 : i32
    %dma_start3A_175 = tpu.memref_slice %arg3[%add3A_72, %dma_start3A_174] : memref<320000x128xf32, #tpu.memory_space<hbm>> -> memref<256x128xf32, #tpu.memory_space<hbm>>
    %dma_start3A_176 = arith.constant 0 : i32
    %dma_start3A_177 = tpu.memref_slice %arg3[%add3A_72, %dma_start3A_176] : memref<320000x128xf32, #tpu.memory_space<hbm>> -> memref<256x128xf32, #tpu.memory_space<hbm>>
    tpu.enqueue_dma source(%arg5 : memref<256x128xf32, #tpu.memory_space<vmem>>) target(%dma_start3A_177 : memref<256x128xf32, #tpu.memory_space<hbm>>) target_semaphore(%arg6 : memref<!tpu.dma_semaphore, #tpu.memory_space<semaphore_mem>>)
    %dma_start3A_178 = arith.constant 0 : i32
    %dma_start3A_179 = tpu.memref_slice %arg3[%add3A_74, %dma_start3A_178] : memref<320000x128xf32, #tpu.memory_space<hbm>> -> memref<256x128xf32, #tpu.memory_space<hbm>>
    %dma_start3A_180 = arith.constant 0 : i32
    %dma_start3A_181 = tpu.memref_slice %arg3[%add3A_74, %dma_start3A_180] : memref<320000x128xf32, #tpu.memory_space<hbm>> -> memref<256x128xf32, #tpu.memory_space<hbm>>
    tpu.enqueue_dma source(%arg5 : memref<256x128xf32, #tpu.memory_space<vmem>>) target(%dma_start3A_181 : memref<256x128xf32, #tpu.memory_space<hbm>>) target_semaphore(%arg6 : memref<!tpu.dma_semaphore, #tpu.memory_space<semaphore_mem>>)
    %dma_start3A_182 = arith.constant 0 : i32
    %dma_start3A_183 = tpu.memref_slice %arg3[%add3A_76, %dma_start3A_182] : memref<320000x128xf32, #tpu.memory_space<hbm>> -> memref<256x128xf32, #tpu.memory_space<hbm>>
    %dma_start3A_184 = arith.constant 0 : i32
    %dma_start3A_185 = tpu.memref_slice %arg3[%add3A_76, %dma_start3A_184] : memref<320000x128xf32, #tpu.memory_space<hbm>> -> memref<256x128xf32, #tpu.memory_space<hbm>>
    tpu.enqueue_dma source(%arg5 : memref<256x128xf32, #tpu.memory_space<vmem>>) target(%dma_start3A_185 : memref<256x128xf32, #tpu.memory_space<hbm>>) target_semaphore(%arg6 : memref<!tpu.dma_semaphore, #tpu.memory_space<semaphore_mem>>)
    %dma_start3A_186 = arith.constant 0 : i32
    %dma_start3A_187 = tpu.memref_slice %arg3[%add3A_78, %dma_start3A_186] : memref<320000x128xf32, #tpu.memory_space<hbm>> -> memref<256x128xf32, #tpu.memory_space<hbm>>
    %dma_start3A_188 = arith.constant 0 : i32
    %dma_start3A_189 = tpu.memref_slice %arg3[%add3A_78, %dma_start3A_188] : memref<320000x128xf32, #tpu.memory_space<hbm>> -> memref<256x128xf32, #tpu.memory_space<hbm>>
    tpu.enqueue_dma source(%arg5 : memref<256x128xf32, #tpu.memory_space<vmem>>) target(%dma_start3A_189 : memref<256x128xf32, #tpu.memory_space<hbm>>) target_semaphore(%arg6 : memref<!tpu.dma_semaphore, #tpu.memory_space<semaphore_mem>>)
    %dma_start3A_190 = arith.constant 0 : i32
    %dma_start3A_191 = tpu.memref_slice %arg3[%add3A_80, %dma_start3A_190] : memref<320000x128xf32, #tpu.memory_space<hbm>> -> memref<256x128xf32, #tpu.memory_space<hbm>>
    %dma_start3A_192 = arith.constant 0 : i32
    %dma_start3A_193 = tpu.memref_slice %arg3[%add3A_80, %dma_start3A_192] : memref<320000x128xf32, #tpu.memory_space<hbm>> -> memref<256x128xf32, #tpu.memory_space<hbm>>
    tpu.enqueue_dma source(%arg5 : memref<256x128xf32, #tpu.memory_space<vmem>>) target(%dma_start3A_193 : memref<256x128xf32, #tpu.memory_space<hbm>>) target_semaphore(%arg6 : memref<!tpu.dma_semaphore, #tpu.memory_space<semaphore_mem>>)
    %dma_start3A_194 = arith.constant 0 : i32
    %dma_start3A_195 = tpu.memref_slice %arg3[%add3A_82, %dma_start3A_194] : memref<320000x128xf32, #tpu.memory_space<hbm>> -> memref<256x128xf32, #tpu.memory_space<hbm>>
    %dma_start3A_196 = arith.constant 0 : i32
    %dma_start3A_197 = tpu.memref_slice %arg3[%add3A_82, %dma_start3A_196] : memref<320000x128xf32, #tpu.memory_space<hbm>> -> memref<256x128xf32, #tpu.memory_space<hbm>>
    tpu.enqueue_dma source(%arg5 : memref<256x128xf32, #tpu.memory_space<vmem>>) target(%dma_start3A_197 : memref<256x128xf32, #tpu.memory_space<hbm>>) target_semaphore(%arg6 : memref<!tpu.dma_semaphore, #tpu.memory_space<semaphore_mem>>)
    %dma_start3A_198 = arith.constant 0 : i32
    %dma_start3A_199 = tpu.memref_slice %arg3[%add3A_84, %dma_start3A_198] : memref<320000x128xf32, #tpu.memory_space<hbm>> -> memref<256x128xf32, #tpu.memory_space<hbm>>
    %dma_start3A_200 = arith.constant 0 : i32
    %dma_start3A_201 = tpu.memref_slice %arg3[%add3A_84, %dma_start3A_200] : memref<320000x128xf32, #tpu.memory_space<hbm>> -> memref<256x128xf32, #tpu.memory_space<hbm>>
    tpu.enqueue_dma source(%arg5 : memref<256x128xf32, #tpu.memory_space<vmem>>) target(%dma_start3A_201 : memref<256x128xf32, #tpu.memory_space<hbm>>) target_semaphore(%arg6 : memref<!tpu.dma_semaphore, #tpu.memory_space<semaphore_mem>>)
    %dma_start3A_202 = arith.constant 0 : i32
    %dma_start3A_203 = tpu.memref_slice %arg3[%add3A_86, %dma_start3A_202] : memref<320000x128xf32, #tpu.memory_space<hbm>> -> memref<256x128xf32, #tpu.memory_space<hbm>>
    %dma_start3A_204 = arith.constant 0 : i32
    %dma_start3A_205 = tpu.memref_slice %arg3[%add3A_86, %dma_start3A_204] : memref<320000x128xf32, #tpu.memory_space<hbm>> -> memref<256x128xf32, #tpu.memory_space<hbm>>
    tpu.enqueue_dma source(%arg5 : memref<256x128xf32, #tpu.memory_space<vmem>>) target(%dma_start3A_205 : memref<256x128xf32, #tpu.memory_space<hbm>>) target_semaphore(%arg6 : memref<!tpu.dma_semaphore, #tpu.memory_space<semaphore_mem>>)
    %dma_start3A_206 = arith.constant 0 : i32
    %dma_start3A_207 = tpu.memref_slice %arg3[%add3A_88, %dma_start3A_206] : memref<320000x128xf32, #tpu.memory_space<hbm>> -> memref<256x128xf32, #tpu.memory_space<hbm>>
    %dma_start3A_208 = arith.constant 0 : i32
    %dma_start3A_209 = tpu.memref_slice %arg3[%add3A_88, %dma_start3A_208] : memref<320000x128xf32, #tpu.memory_space<hbm>> -> memref<256x128xf32, #tpu.memory_space<hbm>>
    tpu.enqueue_dma source(%arg5 : memref<256x128xf32, #tpu.memory_space<vmem>>) target(%dma_start3A_209 : memref<256x128xf32, #tpu.memory_space<hbm>>) target_semaphore(%arg6 : memref<!tpu.dma_semaphore, #tpu.memory_space<semaphore_mem>>)
    %dma_start3A_210 = arith.constant 0 : i32
    %dma_start3A_211 = tpu.memref_slice %arg3[%add3A_90, %dma_start3A_210] : memref<320000x128xf32, #tpu.memory_space<hbm>> -> memref<256x128xf32, #tpu.memory_space<hbm>>
    %dma_start3A_212 = arith.constant 0 : i32
    %dma_start3A_213 = tpu.memref_slice %arg3[%add3A_90, %dma_start3A_212] : memref<320000x128xf32, #tpu.memory_space<hbm>> -> memref<256x128xf32, #tpu.memory_space<hbm>>
    tpu.enqueue_dma source(%arg5 : memref<256x128xf32, #tpu.memory_space<vmem>>) target(%dma_start3A_213 : memref<256x128xf32, #tpu.memory_space<hbm>>) target_semaphore(%arg6 : memref<!tpu.dma_semaphore, #tpu.memory_space<semaphore_mem>>)
    %dma_start3A_214 = arith.constant 0 : i32
    %dma_start3A_215 = tpu.memref_slice %arg3[%add3A_92, %dma_start3A_214] : memref<320000x128xf32, #tpu.memory_space<hbm>> -> memref<256x128xf32, #tpu.memory_space<hbm>>
    %dma_start3A_216 = arith.constant 0 : i32
    %dma_start3A_217 = tpu.memref_slice %arg3[%add3A_92, %dma_start3A_216] : memref<320000x128xf32, #tpu.memory_space<hbm>> -> memref<256x128xf32, #tpu.memory_space<hbm>>
    tpu.enqueue_dma source(%arg5 : memref<256x128xf32, #tpu.memory_space<vmem>>) target(%dma_start3A_217 : memref<256x128xf32, #tpu.memory_space<hbm>>) target_semaphore(%arg6 : memref<!tpu.dma_semaphore, #tpu.memory_space<semaphore_mem>>)
    %dma_start3A_218 = arith.constant 0 : i32
    %dma_start3A_219 = tpu.memref_slice %arg3[%add3A_94, %dma_start3A_218] : memref<320000x128xf32, #tpu.memory_space<hbm>> -> memref<256x128xf32, #tpu.memory_space<hbm>>
    %dma_start3A_220 = arith.constant 0 : i32
    %dma_start3A_221 = tpu.memref_slice %arg3[%add3A_94, %dma_start3A_220] : memref<320000x128xf32, #tpu.memory_space<hbm>> -> memref<256x128xf32, #tpu.memory_space<hbm>>
    tpu.enqueue_dma source(%arg5 : memref<256x128xf32, #tpu.memory_space<vmem>>) target(%dma_start3A_221 : memref<256x128xf32, #tpu.memory_space<hbm>>) target_semaphore(%arg6 : memref<!tpu.dma_semaphore, #tpu.memory_space<semaphore_mem>>)
    %dma_start3A_222 = arith.constant 0 : i32
    %dma_start3A_223 = tpu.memref_slice %arg3[%add3A_96, %dma_start3A_222] : memref<320000x128xf32, #tpu.memory_space<hbm>> -> memref<256x128xf32, #tpu.memory_space<hbm>>
    %dma_start3A_224 = arith.constant 0 : i32
    %dma_start3A_225 = tpu.memref_slice %arg3[%add3A_96, %dma_start3A_224] : memref<320000x128xf32, #tpu.memory_space<hbm>> -> memref<256x128xf32, #tpu.memory_space<hbm>>
    tpu.enqueue_dma source(%arg5 : memref<256x128xf32, #tpu.memory_space<vmem>>) target(%dma_start3A_225 : memref<256x128xf32, #tpu.memory_space<hbm>>) target_semaphore(%arg6 : memref<!tpu.dma_semaphore, #tpu.memory_space<semaphore_mem>>)
    %dma_start3A_226 = arith.constant 0 : i32
    %dma_start3A_227 = tpu.memref_slice %arg3[%add3A_98, %dma_start3A_226] : memref<320000x128xf32, #tpu.memory_space<hbm>> -> memref<256x128xf32, #tpu.memory_space<hbm>>
    %dma_start3A_228 = arith.constant 0 : i32
    %dma_start3A_229 = tpu.memref_slice %arg3[%add3A_98, %dma_start3A_228] : memref<320000x128xf32, #tpu.memory_space<hbm>> -> memref<256x128xf32, #tpu.memory_space<hbm>>
    tpu.enqueue_dma source(%arg5 : memref<256x128xf32, #tpu.memory_space<vmem>>) target(%dma_start3A_229 : memref<256x128xf32, #tpu.memory_space<hbm>>) target_semaphore(%arg6 : memref<!tpu.dma_semaphore, #tpu.memory_space<semaphore_mem>>)
    %dma_start3A_230 = arith.constant 0 : i32
    %dma_start3A_231 = tpu.memref_slice %arg3[%add3A_100, %dma_start3A_230] : memref<320000x128xf32, #tpu.memory_space<hbm>> -> memref<256x128xf32, #tpu.memory_space<hbm>>
    %dma_start3A_232 = arith.constant 0 : i32
    %dma_start3A_233 = tpu.memref_slice %arg3[%add3A_100, %dma_start3A_232] : memref<320000x128xf32, #tpu.memory_space<hbm>> -> memref<256x128xf32, #tpu.memory_space<hbm>>
    tpu.enqueue_dma source(%arg5 : memref<256x128xf32, #tpu.memory_space<vmem>>) target(%dma_start3A_233 : memref<256x128xf32, #tpu.memory_space<hbm>>) target_semaphore(%arg6 : memref<!tpu.dma_semaphore, #tpu.memory_space<semaphore_mem>>)
    %dma_start3A_234 = arith.constant 0 : i32
    %dma_start3A_235 = tpu.memref_slice %arg3[%add3A_102, %dma_start3A_234] : memref<320000x128xf32, #tpu.memory_space<hbm>> -> memref<256x128xf32, #tpu.memory_space<hbm>>
    %dma_start3A_236 = arith.constant 0 : i32
    %dma_start3A_237 = tpu.memref_slice %arg3[%add3A_102, %dma_start3A_236] : memref<320000x128xf32, #tpu.memory_space<hbm>> -> memref<256x128xf32, #tpu.memory_space<hbm>>
    tpu.enqueue_dma source(%arg5 : memref<256x128xf32, #tpu.memory_space<vmem>>) target(%dma_start3A_237 : memref<256x128xf32, #tpu.memory_space<hbm>>) target_semaphore(%arg6 : memref<!tpu.dma_semaphore, #tpu.memory_space<semaphore_mem>>)
    %dma_start3A_238 = arith.constant 0 : i32
    %dma_start3A_239 = tpu.memref_slice %arg3[%add3A_104, %dma_start3A_238] : memref<320000x128xf32, #tpu.memory_space<hbm>> -> memref<256x128xf32, #tpu.memory_space<hbm>>
    %dma_start3A_240 = arith.constant 0 : i32
    %dma_start3A_241 = tpu.memref_slice %arg3[%add3A_104, %dma_start3A_240] : memref<320000x128xf32, #tpu.memory_space<hbm>> -> memref<256x128xf32, #tpu.memory_space<hbm>>
    tpu.enqueue_dma source(%arg5 : memref<256x128xf32, #tpu.memory_space<vmem>>) target(%dma_start3A_241 : memref<256x128xf32, #tpu.memory_space<hbm>>) target_semaphore(%arg6 : memref<!tpu.dma_semaphore, #tpu.memory_space<semaphore_mem>>)
    %dma_start3A_242 = arith.constant 0 : i32
    %dma_start3A_243 = tpu.memref_slice %arg3[%add3A_106, %dma_start3A_242] : memref<320000x128xf32, #tpu.memory_space<hbm>> -> memref<256x128xf32, #tpu.memory_space<hbm>>
    %dma_start3A_244 = arith.constant 0 : i32
    %dma_start3A_245 = tpu.memref_slice %arg3[%add3A_106, %dma_start3A_244] : memref<320000x128xf32, #tpu.memory_space<hbm>> -> memref<256x128xf32, #tpu.memory_space<hbm>>
    tpu.enqueue_dma source(%arg5 : memref<256x128xf32, #tpu.memory_space<vmem>>) target(%dma_start3A_245 : memref<256x128xf32, #tpu.memory_space<hbm>>) target_semaphore(%arg6 : memref<!tpu.dma_semaphore, #tpu.memory_space<semaphore_mem>>)
    %dma_start3A_246 = arith.constant 0 : i32
    %dma_start3A_247 = tpu.memref_slice %arg3[%add3A_108, %dma_start3A_246] : memref<320000x128xf32, #tpu.memory_space<hbm>> -> memref<256x128xf32, #tpu.memory_space<hbm>>
    %dma_start3A_248 = arith.constant 0 : i32
    %dma_start3A_249 = tpu.memref_slice %arg3[%add3A_108, %dma_start3A_248] : memref<320000x128xf32, #tpu.memory_space<hbm>> -> memref<256x128xf32, #tpu.memory_space<hbm>>
    tpu.enqueue_dma source(%arg5 : memref<256x128xf32, #tpu.memory_space<vmem>>) target(%dma_start3A_249 : memref<256x128xf32, #tpu.memory_space<hbm>>) target_semaphore(%arg6 : memref<!tpu.dma_semaphore, #tpu.memory_space<semaphore_mem>>)
    %dma_start3A_250 = arith.constant 0 : i32
    %dma_start3A_251 = tpu.memref_slice %arg3[%add3A_110, %dma_start3A_250] : memref<320000x128xf32, #tpu.memory_space<hbm>> -> memref<256x128xf32, #tpu.memory_space<hbm>>
    %dma_start3A_252 = arith.constant 0 : i32
    %dma_start3A_253 = tpu.memref_slice %arg3[%add3A_110, %dma_start3A_252] : memref<320000x128xf32, #tpu.memory_space<hbm>> -> memref<256x128xf32, #tpu.memory_space<hbm>>
    tpu.enqueue_dma source(%arg5 : memref<256x128xf32, #tpu.memory_space<vmem>>) target(%dma_start3A_253 : memref<256x128xf32, #tpu.memory_space<hbm>>) target_semaphore(%arg6 : memref<!tpu.dma_semaphore, #tpu.memory_space<semaphore_mem>>)
    %dma_start3A_254 = arith.constant 0 : i32
    %dma_start3A_255 = tpu.memref_slice %arg3[%add3A_112, %dma_start3A_254] : memref<320000x128xf32, #tpu.memory_space<hbm>> -> memref<256x128xf32, #tpu.memory_space<hbm>>
    %dma_start3A_256 = arith.constant 0 : i32
    %dma_start3A_257 = tpu.memref_slice %arg3[%add3A_112, %dma_start3A_256] : memref<320000x128xf32, #tpu.memory_space<hbm>> -> memref<256x128xf32, #tpu.memory_space<hbm>>
    tpu.enqueue_dma source(%arg5 : memref<256x128xf32, #tpu.memory_space<vmem>>) target(%dma_start3A_257 : memref<256x128xf32, #tpu.memory_space<hbm>>) target_semaphore(%arg6 : memref<!tpu.dma_semaphore, #tpu.memory_space<semaphore_mem>>)
    %dma_start3A_258 = arith.constant 0 : i32
    %dma_start3A_259 = tpu.memref_slice %arg3[%add3A_114, %dma_start3A_258] : memref<320000x128xf32, #tpu.memory_space<hbm>> -> memref<256x128xf32, #tpu.memory_space<hbm>>
    %dma_start3A_260 = arith.constant 0 : i32
    %dma_start3A_261 = tpu.memref_slice %arg3[%add3A_114, %dma_start3A_260] : memref<320000x128xf32, #tpu.memory_space<hbm>> -> memref<256x128xf32, #tpu.memory_space<hbm>>
    tpu.enqueue_dma source(%arg5 : memref<256x128xf32, #tpu.memory_space<vmem>>) target(%dma_start3A_261 : memref<256x128xf32, #tpu.memory_space<hbm>>) target_semaphore(%arg6 : memref<!tpu.dma_semaphore, #tpu.memory_space<semaphore_mem>>)
    %dma_start3A_262 = arith.constant 0 : i32
    %dma_start3A_263 = tpu.memref_slice %arg3[%add3A_116, %dma_start3A_262] : memref<320000x128xf32, #tpu.memory_space<hbm>> -> memref<256x128xf32, #tpu.memory_space<hbm>>
    %dma_start3A_264 = arith.constant 0 : i32
    %dma_start3A_265 = tpu.memref_slice %arg3[%add3A_116, %dma_start3A_264] : memref<320000x128xf32, #tpu.memory_space<hbm>> -> memref<256x128xf32, #tpu.memory_space<hbm>>
    tpu.enqueue_dma source(%arg5 : memref<256x128xf32, #tpu.memory_space<vmem>>) target(%dma_start3A_265 : memref<256x128xf32, #tpu.memory_space<hbm>>) target_semaphore(%arg6 : memref<!tpu.dma_semaphore, #tpu.memory_space<semaphore_mem>>)
    %dma_start3A_266 = arith.constant 0 : i32
    %dma_start3A_267 = tpu.memref_slice %arg3[%add3A_118, %dma_start3A_266] : memref<320000x128xf32, #tpu.memory_space<hbm>> -> memref<256x128xf32, #tpu.memory_space<hbm>>
    %dma_start3A_268 = arith.constant 0 : i32
    %dma_start3A_269 = tpu.memref_slice %arg3[%add3A_118, %dma_start3A_268] : memref<320000x128xf32, #tpu.memory_space<hbm>> -> memref<256x128xf32, #tpu.memory_space<hbm>>
    tpu.enqueue_dma source(%arg5 : memref<256x128xf32, #tpu.memory_space<vmem>>) target(%dma_start3A_269 : memref<256x128xf32, #tpu.memory_space<hbm>>) target_semaphore(%arg6 : memref<!tpu.dma_semaphore, #tpu.memory_space<semaphore_mem>>)
    %dma_start3A_270 = arith.constant 0 : i32
    %dma_start3A_271 = tpu.memref_slice %arg3[%add3A_120, %dma_start3A_270] : memref<320000x128xf32, #tpu.memory_space<hbm>> -> memref<256x128xf32, #tpu.memory_space<hbm>>
    %dma_start3A_272 = arith.constant 0 : i32
    %dma_start3A_273 = tpu.memref_slice %arg3[%add3A_120, %dma_start3A_272] : memref<320000x128xf32, #tpu.memory_space<hbm>> -> memref<256x128xf32, #tpu.memory_space<hbm>>
    tpu.enqueue_dma source(%arg5 : memref<256x128xf32, #tpu.memory_space<vmem>>) target(%dma_start3A_273 : memref<256x128xf32, #tpu.memory_space<hbm>>) target_semaphore(%arg6 : memref<!tpu.dma_semaphore, #tpu.memory_space<semaphore_mem>>)
    %dma_start3A_274 = arith.constant 0 : i32
    %dma_start3A_275 = tpu.memref_slice %arg3[%add3A_122, %dma_start3A_274] : memref<320000x128xf32, #tpu.memory_space<hbm>> -> memref<256x128xf32, #tpu.memory_space<hbm>>
    %dma_start3A_276 = arith.constant 0 : i32
    %dma_start3A_277 = tpu.memref_slice %arg3[%add3A_122, %dma_start3A_276] : memref<320000x128xf32, #tpu.memory_space<hbm>> -> memref<256x128xf32, #tpu.memory_space<hbm>>
    tpu.enqueue_dma source(%arg5 : memref<256x128xf32, #tpu.memory_space<vmem>>) target(%dma_start3A_277 : memref<256x128xf32, #tpu.memory_space<hbm>>) target_semaphore(%arg6 : memref<!tpu.dma_semaphore, #tpu.memory_space<semaphore_mem>>)
    %dma_start3A_278 = arith.constant 0 : i32
    %dma_start3A_279 = tpu.memref_slice %arg3[%add3A_124, %dma_start3A_278] : memref<320000x128xf32, #tpu.memory_space<hbm>> -> memref<256x128xf32, #tpu.memory_space<hbm>>
    %dma_start3A_280 = arith.constant 0 : i32
    %dma_start3A_281 = tpu.memref_slice %arg3[%add3A_124, %dma_start3A_280] : memref<320000x128xf32, #tpu.memory_space<hbm>> -> memref<256x128xf32, #tpu.memory_space<hbm>>
    tpu.enqueue_dma source(%arg5 : memref<256x128xf32, #tpu.memory_space<vmem>>) target(%dma_start3A_281 : memref<256x128xf32, #tpu.memory_space<hbm>>) target_semaphore(%arg6 : memref<!tpu.dma_semaphore, #tpu.memory_space<semaphore_mem>>)
    %dma_start3A_282 = arith.constant 0 : i32
    %dma_start3A_283 = arith.constant 0 : i32
    %dma_start3A_284 = tpu.memref_slice %arg5[%dma_start3A_282, %dma_start3A_283] : memref<256x128xf32, #tpu.memory_space<vmem>> -> memref<16x128xf32, #tpu.memory_space<vmem>>
    %dma_start3A_285 = arith.constant 0 : i32
    %dma_start3A_286 = tpu.memref_slice %arg3[%add3A_126, %dma_start3A_285] : memref<320000x128xf32, #tpu.memory_space<hbm>> -> memref<16x128xf32, #tpu.memory_space<hbm>>
    %dma_start3A_287 = arith.constant 0 : i32
    %dma_start3A_288 = tpu.memref_slice %arg3[%add3A_126, %dma_start3A_287] : memref<320000x128xf32, #tpu.memory_space<hbm>> -> memref<16x128xf32, #tpu.memory_space<hbm>>
    %dma_start3A_289 = arith.constant 0 : i32
    %dma_start3A_290 = arith.constant 0 : i32
    %dma_start3A_291 = tpu.memref_slice %arg5[%dma_start3A_289, %dma_start3A_290] : memref<256x128xf32, #tpu.memory_space<vmem>> -> memref<16x128xf32, #tpu.memory_space<vmem>>
    tpu.enqueue_dma source(%dma_start3A_291 : memref<16x128xf32, #tpu.memory_space<vmem>>) target(%dma_start3A_288 : memref<16x128xf32, #tpu.memory_space<hbm>>) target_semaphore(%arg6 : memref<!tpu.dma_semaphore, #tpu.memory_space<semaphore_mem>>)
    %dma_wait3A = arith.constant 0 : i32
    %dma_wait3A_292 = tpu.memref_slice %arg3[%add3A_48, %dma_wait3A] : memref<320000x128xf32, #tpu.memory_space<hbm>> -> memref<256x128xf32, #tpu.memory_space<hbm>>
    %dma_wait3A_293 = arith.constant 0 : i32
    %dma_wait3A_294 = tpu.memref_slice %arg3[%add3A_48, %dma_wait3A_293] : memref<320000x128xf32, #tpu.memory_space<hbm>> -> memref<256x128xf32, #tpu.memory_space<hbm>>
    tpu.wait_dma2 semaphore(%arg6 : memref<!tpu.dma_semaphore, #tpu.memory_space<semaphore_mem>>) src(%arg5 : memref<256x128xf32, #tpu.memory_space<vmem>>) dst(%dma_wait3A_294 : memref<256x128xf32, #tpu.memory_space<hbm>>)
    %dma_wait3A_295 = arith.constant 0 : i32
    %dma_wait3A_296 = tpu.memref_slice %arg3[%add3A_50, %dma_wait3A_295] : memref<320000x128xf32, #tpu.memory_space<hbm>> -> memref<256x128xf32, #tpu.memory_space<hbm>>
    %dma_wait3A_297 = arith.constant 0 : i32
    %dma_wait3A_298 = tpu.memref_slice %arg3[%add3A_50, %dma_wait3A_297] : memref<320000x128xf32, #tpu.memory_space<hbm>> -> memref<256x128xf32, #tpu.memory_space<hbm>>
    tpu.wait_dma2 semaphore(%arg6 : memref<!tpu.dma_semaphore, #tpu.memory_space<semaphore_mem>>) src(%arg5 : memref<256x128xf32, #tpu.memory_space<vmem>>) dst(%dma_wait3A_298 : memref<256x128xf32, #tpu.memory_space<hbm>>)
    %dma_wait3A_299 = arith.constant 0 : i32
    %dma_wait3A_300 = tpu.memref_slice %arg3[%add3A_52, %dma_wait3A_299] : memref<320000x128xf32, #tpu.memory_space<hbm>> -> memref<256x128xf32, #tpu.memory_space<hbm>>
    %dma_wait3A_301 = arith.constant 0 : i32
    %dma_wait3A_302 = tpu.memref_slice %arg3[%add3A_52, %dma_wait3A_301] : memref<320000x128xf32, #tpu.memory_space<hbm>> -> memref<256x128xf32, #tpu.memory_space<hbm>>
    tpu.wait_dma2 semaphore(%arg6 : memref<!tpu.dma_semaphore, #tpu.memory_space<semaphore_mem>>) src(%arg5 : memref<256x128xf32, #tpu.memory_space<vmem>>) dst(%dma_wait3A_302 : memref<256x128xf32, #tpu.memory_space<hbm>>)
    %dma_wait3A_303 = arith.constant 0 : i32
    %dma_wait3A_304 = tpu.memref_slice %arg3[%add3A_54, %dma_wait3A_303] : memref<320000x128xf32, #tpu.memory_space<hbm>> -> memref<256x128xf32, #tpu.memory_space<hbm>>
    %dma_wait3A_305 = arith.constant 0 : i32
    %dma_wait3A_306 = tpu.memref_slice %arg3[%add3A_54, %dma_wait3A_305] : memref<320000x128xf32, #tpu.memory_space<hbm>> -> memref<256x128xf32, #tpu.memory_space<hbm>>
    tpu.wait_dma2 semaphore(%arg6 : memref<!tpu.dma_semaphore, #tpu.memory_space<semaphore_mem>>) src(%arg5 : memref<256x128xf32, #tpu.memory_space<vmem>>) dst(%dma_wait3A_306 : memref<256x128xf32, #tpu.memory_space<hbm>>)
    %dma_wait3A_307 = arith.constant 0 : i32
    %dma_wait3A_308 = tpu.memref_slice %arg3[%add3A_56, %dma_wait3A_307] : memref<320000x128xf32, #tpu.memory_space<hbm>> -> memref<256x128xf32, #tpu.memory_space<hbm>>
    %dma_wait3A_309 = arith.constant 0 : i32
    %dma_wait3A_310 = tpu.memref_slice %arg3[%add3A_56, %dma_wait3A_309] : memref<320000x128xf32, #tpu.memory_space<hbm>> -> memref<256x128xf32, #tpu.memory_space<hbm>>
    tpu.wait_dma2 semaphore(%arg6 : memref<!tpu.dma_semaphore, #tpu.memory_space<semaphore_mem>>) src(%arg5 : memref<256x128xf32, #tpu.memory_space<vmem>>) dst(%dma_wait3A_310 : memref<256x128xf32, #tpu.memory_space<hbm>>)
    %dma_wait3A_311 = arith.constant 0 : i32
    %dma_wait3A_312 = tpu.memref_slice %arg3[%add3A_58, %dma_wait3A_311] : memref<320000x128xf32, #tpu.memory_space<hbm>> -> memref<256x128xf32, #tpu.memory_space<hbm>>
    %dma_wait3A_313 = arith.constant 0 : i32
    %dma_wait3A_314 = tpu.memref_slice %arg3[%add3A_58, %dma_wait3A_313] : memref<320000x128xf32, #tpu.memory_space<hbm>> -> memref<256x128xf32, #tpu.memory_space<hbm>>
    tpu.wait_dma2 semaphore(%arg6 : memref<!tpu.dma_semaphore, #tpu.memory_space<semaphore_mem>>) src(%arg5 : memref<256x128xf32, #tpu.memory_space<vmem>>) dst(%dma_wait3A_314 : memref<256x128xf32, #tpu.memory_space<hbm>>)
    %dma_wait3A_315 = arith.constant 0 : i32
    %dma_wait3A_316 = tpu.memref_slice %arg3[%add3A_60, %dma_wait3A_315] : memref<320000x128xf32, #tpu.memory_space<hbm>> -> memref<256x128xf32, #tpu.memory_space<hbm>>
    %dma_wait3A_317 = arith.constant 0 : i32
    %dma_wait3A_318 = tpu.memref_slice %arg3[%add3A_60, %dma_wait3A_317] : memref<320000x128xf32, #tpu.memory_space<hbm>> -> memref<256x128xf32, #tpu.memory_space<hbm>>
    tpu.wait_dma2 semaphore(%arg6 : memref<!tpu.dma_semaphore, #tpu.memory_space<semaphore_mem>>) src(%arg5 : memref<256x128xf32, #tpu.memory_space<vmem>>) dst(%dma_wait3A_318 : memref<256x128xf32, #tpu.memory_space<hbm>>)
    %dma_wait3A_319 = arith.constant 0 : i32
    %dma_wait3A_320 = tpu.memref_slice %arg3[%add3A_62, %dma_wait3A_319] : memref<320000x128xf32, #tpu.memory_space<hbm>> -> memref<256x128xf32, #tpu.memory_space<hbm>>
    %dma_wait3A_321 = arith.constant 0 : i32
    %dma_wait3A_322 = tpu.memref_slice %arg3[%add3A_62, %dma_wait3A_321] : memref<320000x128xf32, #tpu.memory_space<hbm>> -> memref<256x128xf32, #tpu.memory_space<hbm>>
    tpu.wait_dma2 semaphore(%arg6 : memref<!tpu.dma_semaphore, #tpu.memory_space<semaphore_mem>>) src(%arg5 : memref<256x128xf32, #tpu.memory_space<vmem>>) dst(%dma_wait3A_322 : memref<256x128xf32, #tpu.memory_space<hbm>>)
    %dma_wait3A_323 = arith.constant 0 : i32
    %dma_wait3A_324 = tpu.memref_slice %arg3[%add3A_64, %dma_wait3A_323] : memref<320000x128xf32, #tpu.memory_space<hbm>> -> memref<256x128xf32, #tpu.memory_space<hbm>>
    %dma_wait3A_325 = arith.constant 0 : i32
    %dma_wait3A_326 = tpu.memref_slice %arg3[%add3A_64, %dma_wait3A_325] : memref<320000x128xf32, #tpu.memory_space<hbm>> -> memref<256x128xf32, #tpu.memory_space<hbm>>
    tpu.wait_dma2 semaphore(%arg6 : memref<!tpu.dma_semaphore, #tpu.memory_space<semaphore_mem>>) src(%arg5 : memref<256x128xf32, #tpu.memory_space<vmem>>) dst(%dma_wait3A_326 : memref<256x128xf32, #tpu.memory_space<hbm>>)
    %dma_wait3A_327 = arith.constant 0 : i32
    %dma_wait3A_328 = tpu.memref_slice %arg3[%add3A_66, %dma_wait3A_327] : memref<320000x128xf32, #tpu.memory_space<hbm>> -> memref<256x128xf32, #tpu.memory_space<hbm>>
    %dma_wait3A_329 = arith.constant 0 : i32
    %dma_wait3A_330 = tpu.memref_slice %arg3[%add3A_66, %dma_wait3A_329] : memref<320000x128xf32, #tpu.memory_space<hbm>> -> memref<256x128xf32, #tpu.memory_space<hbm>>
    tpu.wait_dma2 semaphore(%arg6 : memref<!tpu.dma_semaphore, #tpu.memory_space<semaphore_mem>>) src(%arg5 : memref<256x128xf32, #tpu.memory_space<vmem>>) dst(%dma_wait3A_330 : memref<256x128xf32, #tpu.memory_space<hbm>>)
    %dma_wait3A_331 = arith.constant 0 : i32
    %dma_wait3A_332 = tpu.memref_slice %arg3[%add3A_68, %dma_wait3A_331] : memref<320000x128xf32, #tpu.memory_space<hbm>> -> memref<256x128xf32, #tpu.memory_space<hbm>>
    %dma_wait3A_333 = arith.constant 0 : i32
    %dma_wait3A_334 = tpu.memref_slice %arg3[%add3A_68, %dma_wait3A_333] : memref<320000x128xf32, #tpu.memory_space<hbm>> -> memref<256x128xf32, #tpu.memory_space<hbm>>
    tpu.wait_dma2 semaphore(%arg6 : memref<!tpu.dma_semaphore, #tpu.memory_space<semaphore_mem>>) src(%arg5 : memref<256x128xf32, #tpu.memory_space<vmem>>) dst(%dma_wait3A_334 : memref<256x128xf32, #tpu.memory_space<hbm>>)
    %dma_wait3A_335 = arith.constant 0 : i32
    %dma_wait3A_336 = tpu.memref_slice %arg3[%add3A_70, %dma_wait3A_335] : memref<320000x128xf32, #tpu.memory_space<hbm>> -> memref<256x128xf32, #tpu.memory_space<hbm>>
    %dma_wait3A_337 = arith.constant 0 : i32
    %dma_wait3A_338 = tpu.memref_slice %arg3[%add3A_70, %dma_wait3A_337] : memref<320000x128xf32, #tpu.memory_space<hbm>> -> memref<256x128xf32, #tpu.memory_space<hbm>>
    tpu.wait_dma2 semaphore(%arg6 : memref<!tpu.dma_semaphore, #tpu.memory_space<semaphore_mem>>) src(%arg5 : memref<256x128xf32, #tpu.memory_space<vmem>>) dst(%dma_wait3A_338 : memref<256x128xf32, #tpu.memory_space<hbm>>)
    %dma_wait3A_339 = arith.constant 0 : i32
    %dma_wait3A_340 = tpu.memref_slice %arg3[%add3A_72, %dma_wait3A_339] : memref<320000x128xf32, #tpu.memory_space<hbm>> -> memref<256x128xf32, #tpu.memory_space<hbm>>
    %dma_wait3A_341 = arith.constant 0 : i32
    %dma_wait3A_342 = tpu.memref_slice %arg3[%add3A_72, %dma_wait3A_341] : memref<320000x128xf32, #tpu.memory_space<hbm>> -> memref<256x128xf32, #tpu.memory_space<hbm>>
    tpu.wait_dma2 semaphore(%arg6 : memref<!tpu.dma_semaphore, #tpu.memory_space<semaphore_mem>>) src(%arg5 : memref<256x128xf32, #tpu.memory_space<vmem>>) dst(%dma_wait3A_342 : memref<256x128xf32, #tpu.memory_space<hbm>>)
    %dma_wait3A_343 = arith.constant 0 : i32
    %dma_wait3A_344 = tpu.memref_slice %arg3[%add3A_74, %dma_wait3A_343] : memref<320000x128xf32, #tpu.memory_space<hbm>> -> memref<256x128xf32, #tpu.memory_space<hbm>>
    %dma_wait3A_345 = arith.constant 0 : i32
    %dma_wait3A_346 = tpu.memref_slice %arg3[%add3A_74, %dma_wait3A_345] : memref<320000x128xf32, #tpu.memory_space<hbm>> -> memref<256x128xf32, #tpu.memory_space<hbm>>
    tpu.wait_dma2 semaphore(%arg6 : memref<!tpu.dma_semaphore, #tpu.memory_space<semaphore_mem>>) src(%arg5 : memref<256x128xf32, #tpu.memory_space<vmem>>) dst(%dma_wait3A_346 : memref<256x128xf32, #tpu.memory_space<hbm>>)
    %dma_wait3A_347 = arith.constant 0 : i32
    %dma_wait3A_348 = tpu.memref_slice %arg3[%add3A_76, %dma_wait3A_347] : memref<320000x128xf32, #tpu.memory_space<hbm>> -> memref<256x128xf32, #tpu.memory_space<hbm>>
    %dma_wait3A_349 = arith.constant 0 : i32
    %dma_wait3A_350 = tpu.memref_slice %arg3[%add3A_76, %dma_wait3A_349] : memref<320000x128xf32, #tpu.memory_space<hbm>> -> memref<256x128xf32, #tpu.memory_space<hbm>>
    tpu.wait_dma2 semaphore(%arg6 : memref<!tpu.dma_semaphore, #tpu.memory_space<semaphore_mem>>) src(%arg5 : memref<256x128xf32, #tpu.memory_space<vmem>>) dst(%dma_wait3A_350 : memref<256x128xf32, #tpu.memory_space<hbm>>)
    %dma_wait3A_351 = arith.constant 0 : i32
    %dma_wait3A_352 = tpu.memref_slice %arg3[%add3A_78, %dma_wait3A_351] : memref<320000x128xf32, #tpu.memory_space<hbm>> -> memref<256x128xf32, #tpu.memory_space<hbm>>
    %dma_wait3A_353 = arith.constant 0 : i32
    %dma_wait3A_354 = tpu.memref_slice %arg3[%add3A_78, %dma_wait3A_353] : memref<320000x128xf32, #tpu.memory_space<hbm>> -> memref<256x128xf32, #tpu.memory_space<hbm>>
    tpu.wait_dma2 semaphore(%arg6 : memref<!tpu.dma_semaphore, #tpu.memory_space<semaphore_mem>>) src(%arg5 : memref<256x128xf32, #tpu.memory_space<vmem>>) dst(%dma_wait3A_354 : memref<256x128xf32, #tpu.memory_space<hbm>>)
    %dma_wait3A_355 = arith.constant 0 : i32
    %dma_wait3A_356 = tpu.memref_slice %arg3[%add3A_80, %dma_wait3A_355] : memref<320000x128xf32, #tpu.memory_space<hbm>> -> memref<256x128xf32, #tpu.memory_space<hbm>>
    %dma_wait3A_357 = arith.constant 0 : i32
    %dma_wait3A_358 = tpu.memref_slice %arg3[%add3A_80, %dma_wait3A_357] : memref<320000x128xf32, #tpu.memory_space<hbm>> -> memref<256x128xf32, #tpu.memory_space<hbm>>
    tpu.wait_dma2 semaphore(%arg6 : memref<!tpu.dma_semaphore, #tpu.memory_space<semaphore_mem>>) src(%arg5 : memref<256x128xf32, #tpu.memory_space<vmem>>) dst(%dma_wait3A_358 : memref<256x128xf32, #tpu.memory_space<hbm>>)
    %dma_wait3A_359 = arith.constant 0 : i32
    %dma_wait3A_360 = tpu.memref_slice %arg3[%add3A_82, %dma_wait3A_359] : memref<320000x128xf32, #tpu.memory_space<hbm>> -> memref<256x128xf32, #tpu.memory_space<hbm>>
    %dma_wait3A_361 = arith.constant 0 : i32
    %dma_wait3A_362 = tpu.memref_slice %arg3[%add3A_82, %dma_wait3A_361] : memref<320000x128xf32, #tpu.memory_space<hbm>> -> memref<256x128xf32, #tpu.memory_space<hbm>>
    tpu.wait_dma2 semaphore(%arg6 : memref<!tpu.dma_semaphore, #tpu.memory_space<semaphore_mem>>) src(%arg5 : memref<256x128xf32, #tpu.memory_space<vmem>>) dst(%dma_wait3A_362 : memref<256x128xf32, #tpu.memory_space<hbm>>)
    %dma_wait3A_363 = arith.constant 0 : i32
    %dma_wait3A_364 = tpu.memref_slice %arg3[%add3A_84, %dma_wait3A_363] : memref<320000x128xf32, #tpu.memory_space<hbm>> -> memref<256x128xf32, #tpu.memory_space<hbm>>
    %dma_wait3A_365 = arith.constant 0 : i32
    %dma_wait3A_366 = tpu.memref_slice %arg3[%add3A_84, %dma_wait3A_365] : memref<320000x128xf32, #tpu.memory_space<hbm>> -> memref<256x128xf32, #tpu.memory_space<hbm>>
    tpu.wait_dma2 semaphore(%arg6 : memref<!tpu.dma_semaphore, #tpu.memory_space<semaphore_mem>>) src(%arg5 : memref<256x128xf32, #tpu.memory_space<vmem>>) dst(%dma_wait3A_366 : memref<256x128xf32, #tpu.memory_space<hbm>>)
    %dma_wait3A_367 = arith.constant 0 : i32
    %dma_wait3A_368 = tpu.memref_slice %arg3[%add3A_86, %dma_wait3A_367] : memref<320000x128xf32, #tpu.memory_space<hbm>> -> memref<256x128xf32, #tpu.memory_space<hbm>>
    %dma_wait3A_369 = arith.constant 0 : i32
    %dma_wait3A_370 = tpu.memref_slice %arg3[%add3A_86, %dma_wait3A_369] : memref<320000x128xf32, #tpu.memory_space<hbm>> -> memref<256x128xf32, #tpu.memory_space<hbm>>
    tpu.wait_dma2 semaphore(%arg6 : memref<!tpu.dma_semaphore, #tpu.memory_space<semaphore_mem>>) src(%arg5 : memref<256x128xf32, #tpu.memory_space<vmem>>) dst(%dma_wait3A_370 : memref<256x128xf32, #tpu.memory_space<hbm>>)
    %dma_wait3A_371 = arith.constant 0 : i32
    %dma_wait3A_372 = tpu.memref_slice %arg3[%add3A_88, %dma_wait3A_371] : memref<320000x128xf32, #tpu.memory_space<hbm>> -> memref<256x128xf32, #tpu.memory_space<hbm>>
    %dma_wait3A_373 = arith.constant 0 : i32
    %dma_wait3A_374 = tpu.memref_slice %arg3[%add3A_88, %dma_wait3A_373] : memref<320000x128xf32, #tpu.memory_space<hbm>> -> memref<256x128xf32, #tpu.memory_space<hbm>>
    tpu.wait_dma2 semaphore(%arg6 : memref<!tpu.dma_semaphore, #tpu.memory_space<semaphore_mem>>) src(%arg5 : memref<256x128xf32, #tpu.memory_space<vmem>>) dst(%dma_wait3A_374 : memref<256x128xf32, #tpu.memory_space<hbm>>)
    %dma_wait3A_375 = arith.constant 0 : i32
    %dma_wait3A_376 = tpu.memref_slice %arg3[%add3A_90, %dma_wait3A_375] : memref<320000x128xf32, #tpu.memory_space<hbm>> -> memref<256x128xf32, #tpu.memory_space<hbm>>
    %dma_wait3A_377 = arith.constant 0 : i32
    %dma_wait3A_378 = tpu.memref_slice %arg3[%add3A_90, %dma_wait3A_377] : memref<320000x128xf32, #tpu.memory_space<hbm>> -> memref<256x128xf32, #tpu.memory_space<hbm>>
    tpu.wait_dma2 semaphore(%arg6 : memref<!tpu.dma_semaphore, #tpu.memory_space<semaphore_mem>>) src(%arg5 : memref<256x128xf32, #tpu.memory_space<vmem>>) dst(%dma_wait3A_378 : memref<256x128xf32, #tpu.memory_space<hbm>>)
    %dma_wait3A_379 = arith.constant 0 : i32
    %dma_wait3A_380 = tpu.memref_slice %arg3[%add3A_92, %dma_wait3A_379] : memref<320000x128xf32, #tpu.memory_space<hbm>> -> memref<256x128xf32, #tpu.memory_space<hbm>>
    %dma_wait3A_381 = arith.constant 0 : i32
    %dma_wait3A_382 = tpu.memref_slice %arg3[%add3A_92, %dma_wait3A_381] : memref<320000x128xf32, #tpu.memory_space<hbm>> -> memref<256x128xf32, #tpu.memory_space<hbm>>
    tpu.wait_dma2 semaphore(%arg6 : memref<!tpu.dma_semaphore, #tpu.memory_space<semaphore_mem>>) src(%arg5 : memref<256x128xf32, #tpu.memory_space<vmem>>) dst(%dma_wait3A_382 : memref<256x128xf32, #tpu.memory_space<hbm>>)
    %dma_wait3A_383 = arith.constant 0 : i32
    %dma_wait3A_384 = tpu.memref_slice %arg3[%add3A_94, %dma_wait3A_383] : memref<320000x128xf32, #tpu.memory_space<hbm>> -> memref<256x128xf32, #tpu.memory_space<hbm>>
    %dma_wait3A_385 = arith.constant 0 : i32
    %dma_wait3A_386 = tpu.memref_slice %arg3[%add3A_94, %dma_wait3A_385] : memref<320000x128xf32, #tpu.memory_space<hbm>> -> memref<256x128xf32, #tpu.memory_space<hbm>>
    tpu.wait_dma2 semaphore(%arg6 : memref<!tpu.dma_semaphore, #tpu.memory_space<semaphore_mem>>) src(%arg5 : memref<256x128xf32, #tpu.memory_space<vmem>>) dst(%dma_wait3A_386 : memref<256x128xf32, #tpu.memory_space<hbm>>)
    %dma_wait3A_387 = arith.constant 0 : i32
    %dma_wait3A_388 = tpu.memref_slice %arg3[%add3A_96, %dma_wait3A_387] : memref<320000x128xf32, #tpu.memory_space<hbm>> -> memref<256x128xf32, #tpu.memory_space<hbm>>
    %dma_wait3A_389 = arith.constant 0 : i32
    %dma_wait3A_390 = tpu.memref_slice %arg3[%add3A_96, %dma_wait3A_389] : memref<320000x128xf32, #tpu.memory_space<hbm>> -> memref<256x128xf32, #tpu.memory_space<hbm>>
    tpu.wait_dma2 semaphore(%arg6 : memref<!tpu.dma_semaphore, #tpu.memory_space<semaphore_mem>>) src(%arg5 : memref<256x128xf32, #tpu.memory_space<vmem>>) dst(%dma_wait3A_390 : memref<256x128xf32, #tpu.memory_space<hbm>>)
    %dma_wait3A_391 = arith.constant 0 : i32
    %dma_wait3A_392 = tpu.memref_slice %arg3[%add3A_98, %dma_wait3A_391] : memref<320000x128xf32, #tpu.memory_space<hbm>> -> memref<256x128xf32, #tpu.memory_space<hbm>>
    %dma_wait3A_393 = arith.constant 0 : i32
    %dma_wait3A_394 = tpu.memref_slice %arg3[%add3A_98, %dma_wait3A_393] : memref<320000x128xf32, #tpu.memory_space<hbm>> -> memref<256x128xf32, #tpu.memory_space<hbm>>
    tpu.wait_dma2 semaphore(%arg6 : memref<!tpu.dma_semaphore, #tpu.memory_space<semaphore_mem>>) src(%arg5 : memref<256x128xf32, #tpu.memory_space<vmem>>) dst(%dma_wait3A_394 : memref<256x128xf32, #tpu.memory_space<hbm>>)
    %dma_wait3A_395 = arith.constant 0 : i32
    %dma_wait3A_396 = tpu.memref_slice %arg3[%add3A_100, %dma_wait3A_395] : memref<320000x128xf32, #tpu.memory_space<hbm>> -> memref<256x128xf32, #tpu.memory_space<hbm>>
    %dma_wait3A_397 = arith.constant 0 : i32
    %dma_wait3A_398 = tpu.memref_slice %arg3[%add3A_100, %dma_wait3A_397] : memref<320000x128xf32, #tpu.memory_space<hbm>> -> memref<256x128xf32, #tpu.memory_space<hbm>>
    tpu.wait_dma2 semaphore(%arg6 : memref<!tpu.dma_semaphore, #tpu.memory_space<semaphore_mem>>) src(%arg5 : memref<256x128xf32, #tpu.memory_space<vmem>>) dst(%dma_wait3A_398 : memref<256x128xf32, #tpu.memory_space<hbm>>)
    %dma_wait3A_399 = arith.constant 0 : i32
    %dma_wait3A_400 = tpu.memref_slice %arg3[%add3A_102, %dma_wait3A_399] : memref<320000x128xf32, #tpu.memory_space<hbm>> -> memref<256x128xf32, #tpu.memory_space<hbm>>
    %dma_wait3A_401 = arith.constant 0 : i32
    %dma_wait3A_402 = tpu.memref_slice %arg3[%add3A_102, %dma_wait3A_401] : memref<320000x128xf32, #tpu.memory_space<hbm>> -> memref<256x128xf32, #tpu.memory_space<hbm>>
    tpu.wait_dma2 semaphore(%arg6 : memref<!tpu.dma_semaphore, #tpu.memory_space<semaphore_mem>>) src(%arg5 : memref<256x128xf32, #tpu.memory_space<vmem>>) dst(%dma_wait3A_402 : memref<256x128xf32, #tpu.memory_space<hbm>>)
    %dma_wait3A_403 = arith.constant 0 : i32
    %dma_wait3A_404 = tpu.memref_slice %arg3[%add3A_104, %dma_wait3A_403] : memref<320000x128xf32, #tpu.memory_space<hbm>> -> memref<256x128xf32, #tpu.memory_space<hbm>>
    %dma_wait3A_405 = arith.constant 0 : i32
    %dma_wait3A_406 = tpu.memref_slice %arg3[%add3A_104, %dma_wait3A_405] : memref<320000x128xf32, #tpu.memory_space<hbm>> -> memref<256x128xf32, #tpu.memory_space<hbm>>
    tpu.wait_dma2 semaphore(%arg6 : memref<!tpu.dma_semaphore, #tpu.memory_space<semaphore_mem>>) src(%arg5 : memref<256x128xf32, #tpu.memory_space<vmem>>) dst(%dma_wait3A_406 : memref<256x128xf32, #tpu.memory_space<hbm>>)
    %dma_wait3A_407 = arith.constant 0 : i32
    %dma_wait3A_408 = tpu.memref_slice %arg3[%add3A_106, %dma_wait3A_407] : memref<320000x128xf32, #tpu.memory_space<hbm>> -> memref<256x128xf32, #tpu.memory_space<hbm>>
    %dma_wait3A_409 = arith.constant 0 : i32
    %dma_wait3A_410 = tpu.memref_slice %arg3[%add3A_106, %dma_wait3A_409] : memref<320000x128xf32, #tpu.memory_space<hbm>> -> memref<256x128xf32, #tpu.memory_space<hbm>>
    tpu.wait_dma2 semaphore(%arg6 : memref<!tpu.dma_semaphore, #tpu.memory_space<semaphore_mem>>) src(%arg5 : memref<256x128xf32, #tpu.memory_space<vmem>>) dst(%dma_wait3A_410 : memref<256x128xf32, #tpu.memory_space<hbm>>)
    %dma_wait3A_411 = arith.constant 0 : i32
    %dma_wait3A_412 = tpu.memref_slice %arg3[%add3A_108, %dma_wait3A_411] : memref<320000x128xf32, #tpu.memory_space<hbm>> -> memref<256x128xf32, #tpu.memory_space<hbm>>
    %dma_wait3A_413 = arith.constant 0 : i32
    %dma_wait3A_414 = tpu.memref_slice %arg3[%add3A_108, %dma_wait3A_413] : memref<320000x128xf32, #tpu.memory_space<hbm>> -> memref<256x128xf32, #tpu.memory_space<hbm>>
    tpu.wait_dma2 semaphore(%arg6 : memref<!tpu.dma_semaphore, #tpu.memory_space<semaphore_mem>>) src(%arg5 : memref<256x128xf32, #tpu.memory_space<vmem>>) dst(%dma_wait3A_414 : memref<256x128xf32, #tpu.memory_space<hbm>>)
    %dma_wait3A_415 = arith.constant 0 : i32
    %dma_wait3A_416 = tpu.memref_slice %arg3[%add3A_110, %dma_wait3A_415] : memref<320000x128xf32, #tpu.memory_space<hbm>> -> memref<256x128xf32, #tpu.memory_space<hbm>>
    %dma_wait3A_417 = arith.constant 0 : i32
    %dma_wait3A_418 = tpu.memref_slice %arg3[%add3A_110, %dma_wait3A_417] : memref<320000x128xf32, #tpu.memory_space<hbm>> -> memref<256x128xf32, #tpu.memory_space<hbm>>
    tpu.wait_dma2 semaphore(%arg6 : memref<!tpu.dma_semaphore, #tpu.memory_space<semaphore_mem>>) src(%arg5 : memref<256x128xf32, #tpu.memory_space<vmem>>) dst(%dma_wait3A_418 : memref<256x128xf32, #tpu.memory_space<hbm>>)
    %dma_wait3A_419 = arith.constant 0 : i32
    %dma_wait3A_420 = tpu.memref_slice %arg3[%add3A_112, %dma_wait3A_419] : memref<320000x128xf32, #tpu.memory_space<hbm>> -> memref<256x128xf32, #tpu.memory_space<hbm>>
    %dma_wait3A_421 = arith.constant 0 : i32
    %dma_wait3A_422 = tpu.memref_slice %arg3[%add3A_112, %dma_wait3A_421] : memref<320000x128xf32, #tpu.memory_space<hbm>> -> memref<256x128xf32, #tpu.memory_space<hbm>>
    tpu.wait_dma2 semaphore(%arg6 : memref<!tpu.dma_semaphore, #tpu.memory_space<semaphore_mem>>) src(%arg5 : memref<256x128xf32, #tpu.memory_space<vmem>>) dst(%dma_wait3A_422 : memref<256x128xf32, #tpu.memory_space<hbm>>)
    %dma_wait3A_423 = arith.constant 0 : i32
    %dma_wait3A_424 = tpu.memref_slice %arg3[%add3A_114, %dma_wait3A_423] : memref<320000x128xf32, #tpu.memory_space<hbm>> -> memref<256x128xf32, #tpu.memory_space<hbm>>
    %dma_wait3A_425 = arith.constant 0 : i32
    %dma_wait3A_426 = tpu.memref_slice %arg3[%add3A_114, %dma_wait3A_425] : memref<320000x128xf32, #tpu.memory_space<hbm>> -> memref<256x128xf32, #tpu.memory_space<hbm>>
    tpu.wait_dma2 semaphore(%arg6 : memref<!tpu.dma_semaphore, #tpu.memory_space<semaphore_mem>>) src(%arg5 : memref<256x128xf32, #tpu.memory_space<vmem>>) dst(%dma_wait3A_426 : memref<256x128xf32, #tpu.memory_space<hbm>>)
    %dma_wait3A_427 = arith.constant 0 : i32
    %dma_wait3A_428 = tpu.memref_slice %arg3[%add3A_116, %dma_wait3A_427] : memref<320000x128xf32, #tpu.memory_space<hbm>> -> memref<256x128xf32, #tpu.memory_space<hbm>>
    %dma_wait3A_429 = arith.constant 0 : i32
    %dma_wait3A_430 = tpu.memref_slice %arg3[%add3A_116, %dma_wait3A_429] : memref<320000x128xf32, #tpu.memory_space<hbm>> -> memref<256x128xf32, #tpu.memory_space<hbm>>
    tpu.wait_dma2 semaphore(%arg6 : memref<!tpu.dma_semaphore, #tpu.memory_space<semaphore_mem>>) src(%arg5 : memref<256x128xf32, #tpu.memory_space<vmem>>) dst(%dma_wait3A_430 : memref<256x128xf32, #tpu.memory_space<hbm>>)
    %dma_wait3A_431 = arith.constant 0 : i32
    %dma_wait3A_432 = tpu.memref_slice %arg3[%add3A_118, %dma_wait3A_431] : memref<320000x128xf32, #tpu.memory_space<hbm>> -> memref<256x128xf32, #tpu.memory_space<hbm>>
    %dma_wait3A_433 = arith.constant 0 : i32
    %dma_wait3A_434 = tpu.memref_slice %arg3[%add3A_118, %dma_wait3A_433] : memref<320000x128xf32, #tpu.memory_space<hbm>> -> memref<256x128xf32, #tpu.memory_space<hbm>>
    tpu.wait_dma2 semaphore(%arg6 : memref<!tpu.dma_semaphore, #tpu.memory_space<semaphore_mem>>) src(%arg5 : memref<256x128xf32, #tpu.memory_space<vmem>>) dst(%dma_wait3A_434 : memref<256x128xf32, #tpu.memory_space<hbm>>)
    %dma_wait3A_435 = arith.constant 0 : i32
    %dma_wait3A_436 = tpu.memref_slice %arg3[%add3A_120, %dma_wait3A_435] : memref<320000x128xf32, #tpu.memory_space<hbm>> -> memref<256x128xf32, #tpu.memory_space<hbm>>
    %dma_wait3A_437 = arith.constant 0 : i32
    %dma_wait3A_438 = tpu.memref_slice %arg3[%add3A_120, %dma_wait3A_437] : memref<320000x128xf32, #tpu.memory_space<hbm>> -> memref<256x128xf32, #tpu.memory_space<hbm>>
    tpu.wait_dma2 semaphore(%arg6 : memref<!tpu.dma_semaphore, #tpu.memory_space<semaphore_mem>>) src(%arg5 : memref<256x128xf32, #tpu.memory_space<vmem>>) dst(%dma_wait3A_438 : memref<256x128xf32, #tpu.memory_space<hbm>>)
    %dma_wait3A_439 = arith.constant 0 : i32
    %dma_wait3A_440 = tpu.memref_slice %arg3[%add3A_122, %dma_wait3A_439] : memref<320000x128xf32, #tpu.memory_space<hbm>> -> memref<256x128xf32, #tpu.memory_space<hbm>>
    %dma_wait3A_441 = arith.constant 0 : i32
    %dma_wait3A_442 = tpu.memref_slice %arg3[%add3A_122, %dma_wait3A_441] : memref<320000x128xf32, #tpu.memory_space<hbm>> -> memref<256x128xf32, #tpu.memory_space<hbm>>
    tpu.wait_dma2 semaphore(%arg6 : memref<!tpu.dma_semaphore, #tpu.memory_space<semaphore_mem>>) src(%arg5 : memref<256x128xf32, #tpu.memory_space<vmem>>) dst(%dma_wait3A_442 : memref<256x128xf32, #tpu.memory_space<hbm>>)
    %dma_wait3A_443 = arith.constant 0 : i32
    %dma_wait3A_444 = tpu.memref_slice %arg3[%add3A_124, %dma_wait3A_443] : memref<320000x128xf32, #tpu.memory_space<hbm>> -> memref<256x128xf32, #tpu.memory_space<hbm>>
    %dma_wait3A_445 = arith.constant 0 : i32
    %dma_wait3A_446 = tpu.memref_slice %arg3[%add3A_124, %dma_wait3A_445] : memref<320000x128xf32, #tpu.memory_space<hbm>> -> memref<256x128xf32, #tpu.memory_space<hbm>>
    tpu.wait_dma2 semaphore(%arg6 : memref<!tpu.dma_semaphore, #tpu.memory_space<semaphore_mem>>) src(%arg5 : memref<256x128xf32, #tpu.memory_space<vmem>>) dst(%dma_wait3A_446 : memref<256x128xf32, #tpu.memory_space<hbm>>)
    %dma_wait3A_447 = arith.constant 0 : i32
    %dma_wait3A_448 = arith.constant 0 : i32
    %dma_wait3A_449 = tpu.memref_slice %arg5[%dma_wait3A_447, %dma_wait3A_448] : memref<256x128xf32, #tpu.memory_space<vmem>> -> memref<16x128xf32, #tpu.memory_space<vmem>>
    %dma_wait3A_450 = arith.constant 0 : i32
    %dma_wait3A_451 = tpu.memref_slice %arg3[%add3A_126, %dma_wait3A_450] : memref<320000x128xf32, #tpu.memory_space<hbm>> -> memref<16x128xf32, #tpu.memory_space<hbm>>
    %dma_wait3A_452 = arith.constant 0 : i32
    %dma_wait3A_453 = tpu.memref_slice %arg3[%add3A_126, %dma_wait3A_452] : memref<320000x128xf32, #tpu.memory_space<hbm>> -> memref<16x128xf32, #tpu.memory_space<hbm>>
    %dma_wait3A_454 = arith.constant 0 : i32
    %dma_wait3A_455 = arith.constant 0 : i32
    %dma_wait3A_456 = tpu.memref_slice %arg5[%dma_wait3A_454, %dma_wait3A_455] : memref<256x128xf32, #tpu.memory_space<vmem>> -> memref<16x128xf32, #tpu.memory_space<vmem>>
    tpu.wait_dma2 semaphore(%arg6 : memref<!tpu.dma_semaphore, #tpu.memory_space<semaphore_mem>>) src(%dma_wait3A_456 : memref<16x128xf32, #tpu.memory_space<vmem>>) dst(%dma_wait3A_453 : memref<16x128xf32, #tpu.memory_space<hbm>>)
    return
  }
}

</mosaic_0001>

<sc_bundles>
// kernel: kernel.3.cloned.1.call-start
scs
__scs_entry_jumppad:
0x0: {  	(pc) =	sbr.rel $0x88, $3  }
0x1: {  	(tag) =	ssettag $0x0;
	lr =	simm.s32 $0x1  }
0x2: {  	[smem:$0x3FA0] =	sst lr;
	_ =	strace $0xD0000000  }
0x3: {  	_ = 	snop  }
0x4: {  	_ = 	snop  }
0x5: {  	_ = 	snop  }
0x6: {  	_ = 	snop  }
0x7: {  	_ = 	snop  }
__scs_overlays_trampoline_lowered:
0x8: {  	[smem:$0x3FAF] =	sst s0  }
0x9: {  	[smem:$0x3FB0] =	sst s1  }
0xa: {  	[smem:$0x3FB1] =	sst s2  }
0xb: {  	[smem:$0x3FB2] =	sst s3  }
0xc: {  	[smem:$0x3FB3] =	sst s4  }
0xd: {  	[smem:$0x3FB4] =	sst s5  }
0xe: {  	[smem:$0x3FB5] =	sst s6  }
0xf: {  	[smem:$0x3FB6] =	sst s7  }
0x10: {  	[smem:$0x3FB7] =	sst s8  }
0x11: {  	[smem:$0x3FB8] =	sst s9;
	s0 =	simm.s32 @!p0 $0x0  }
0x12: {  	s1 =	sld [smem:$0x3F9E];
	s0 =	simm.s32 @p0 $0x1  }
0x13: {  	[smem:$0x3FB9] =	sst s0;
	s0 =	simm.s32 @!p1 $0x0  }
0x14: {  	s2 =	sld [smem:$0x3F9D];
	s0 =	simm.s32 @p1 $0x1  }
0x15: {  	[smem:$0x3FBA] =	sst s0;
	s0 =	simm.s32 @!p2 $0x0  }
0x16: {  	s3 =	sld [smem:$0x3FDB];
	s0 =	simm.s32 @p2 $0x1  }
0x17: {  	s4 =	simm.s32 $0x1BF5;
	[smem:$0x3FBC] =	sst s0  }
0x18: {  	s0 =	sld [smem:$0x3F9F];
	_ =	swait.ge [sflag:s4], $0x0  }
0x19: {  	s7 =	sld [smem:$0x3FA0]  }
0x1a: {  	s8 =	sadd.s32 $0xFFFFE003, lr  }
0x1b: {  	s9 =	sadd.s32 $0xFFFFFEF7, lr;
	s5 =	simm.s32 $0xFFFFFFFF;
	p2 =	slt.u32 s8, $0xFFFFF086  }
0x1c: {  	p1 =	slt.u32 s9, $0xF7A;
	s5 =	simm.s32 @!p2 $0x0  }
0x1d: {  	s5 =	simm.s32 @p1 $0x1;
	p0 =	seq.s32 s7, s2  }
0x1e: {  	s7 =	smul.u32 @!p0 $0xF7A, s2;
	p2 =	seq.s32 @!p0 s5, $0x0  }
0x1f: {  	s9 =	smul.u32 $0xF7A, s1;
	s8 =	simm.s32 @!p0 $0x1BF5;
	p2 =	por !p2, p0  }
0x20: {  	[sflag:s8] =	ssyncset.s32 @!p0 $0xFFFFF086;
	s6 =	sadd.s32 @!p0 s3, s7;
	s7 =	simm.s32 @!p0 $0x108  }
0x21: {  	s3 =	sadd.s32 s3, s9;
	s6 =	sadd.s32 @!p0 $0x88, s6;
	s7 =	simm.s32 @p2 $0x1082  }
0x22: {  	[simem:s7], [sflag:s8] =	dma.local @!p0 [hbm:s6], $0xF7A  }
0x23: {  	s9 =	sor.u32 $0xD0000000, s2;
	s6 =	simm.s32 $0x108;
	_ =	swait.ge @!p0 [sflag:s8], $0x0  }
0x24: {  	s3 =	sadd.s32 $0x88, s3;
	s6 =	simm.s32 @!p1 $0x1082;
	[sflag:s4] =	ssyncset.s32 $0xFFFFF086  }
0x25: {  	[simem:s6], [sflag:s4] =	dma.local [hbm:s3], $0xF7A  }
0x26: {  	[smem:$0x3FA0] =	sst s1;
	(tag) =	ssettag s2;
	_ =	strace s9  }
0x27: {  	s1 =	sld [smem:$0x3FB0]  }
0x28: {  	s2 =	sld [smem:$0x3FB1]  }
0x29: {  	s4 =	sld [smem:$0x3FB3]  }
0x2a: {  	p0 =	seq.s32 s5, $0x0;
	s5 =	sld [smem:$0x3FB4]  }
0x2b: {  	s6 =	sld [smem:$0x3FB5]  }
0x2c: {  	s7 =	sld [smem:$0x3FB6]  }
0x2d: {  	s3 =	simm.s32 $0x108;
	s8 =	sld [smem:$0x3FB7]  }
0x2e: {  	s3 =	simm.s32 @!p0 $0x1082;
	s9 =	sld [smem:$0x3FB8]  }
0x2f: {  	lr =	sadd.s32 s0, s3;
	s0 =	sld [smem:$0x3FAF]  }
0x30: {  	s3 =	sld [smem:$0x3FB2]  }
0x31: {  	[smem:$0x3FBB] =	sst s10  }
0x32: {  	s10 =	sld [smem:$0x3FB9];
	_ =	sdelay $0x3  }
0x33: {  	p0 =	seq.s32 s10, $0x1;
	s10 =	sld [smem:$0x3FBB];
	_ =	sdelay $0x3  }
0x34: {  	[smem:$0x3FBB] =	sst s10  }
0x35: {  	s10 =	sld [smem:$0x3FBA];
	_ =	sdelay $0x3  }
0x36: {  	p1 =	seq.s32 s10, $0x1;
	s10 =	sld [smem:$0x3FBB];
	_ =	sdelay $0x3  }
0x37: {  	[smem:$0x3FBB] =	sst s10  }
0x38: {  	s10 =	sld [smem:$0x3FBC]  }
0x39: {  	_ = 	snop;
	(pc) =	sbr.ind lr, $3  }
0x3a: {  	_ = 	snop  }
0x3b: {  	_ = 	snop  }
0x3c: {  	p2 =	seq.s32 s10, $0x1;
	s10 =	sld [smem:$0x3FBB]  }
0x3d: {  	_ =	shalt  }
0x3e: {  	_ =	shalt  }
0x3f: {  	_ =	shalt  }
0x40: {  	_ =	shalt  }
0x41: {  	_ =	shalt  }
0x42: {  	_ =	shalt  }
0x43: {  	_ =	shalt  }
0x44: {  	_ =	shalt  }
0x45: {  	_ =	shalt  }
0x46: {  	_ =	shalt  }
0x47: {  	_ =	shalt  }
0x48: {  	_ =	shalt  }
0x49: {  	_ =	shalt  }
0x4a: {  	_ =	shalt  }
0x4b: {  	_ =	shalt  }
0x4c: {  	_ =	shalt  }
0x4d: {  	_ =	shalt  }
0x4e: {  	_ =	shalt  }
0x4f: {  	_ =	shalt  }
0x50: {  	_ =	shalt  }
0x51: {  	_ =	shalt  }
0x52: {  	_ =	shalt  }
0x53: {  	_ =	shalt  }
0x54: {  	_ =	shalt  }
0x55: {  	_ =	shalt  }
0x56: {  	_ =	shalt  }
0x57: {  	_ =	shalt  }
0x58: {  	_ =	shalt  }
0x59: {  	_ =	shalt  }
0x5a: {  	_ =	shalt  }
0x5b: {  	_ =	shalt  }
0x5c: {  	_ =	shalt  }
0x5d: {  	_ =	shalt  }
0x5e: {  	_ =	shalt  }
0x5f: {  	_ =	shalt  }
0x60: {  	_ =	shalt  }
0x61: {  	_ =	shalt  }
0x62: {  	_ =	shalt  }
0x63: {  	_ =	shalt  }
0x64: {  	_ =	shalt  }
0x65: {  	_ =	shalt  }
0x66: {  	_ =	shalt  }
0x67: {  	_ =	shalt  }
0x68: {  	_ =	shalt  }
0x69: {  	_ =	shalt  }
0x6a: {  	_ =	shalt  }
0x6b: {  	_ =	shalt  }
0x6c: {  	_ =	shalt  }
0x6d: {  	_ =	shalt  }
0x6e: {  	_ =	shalt  }
0x6f: {  	_ =	shalt  }
0x70: {  	_ =	shalt  }
0x71: {  	_ =	shalt  }
0x72: {  	_ =	shalt  }
0x73: {  	_ =	shalt  }
0x74: {  	_ =	shalt  }
0x75: {  	_ =	shalt  }
0x76: {  	_ =	shalt  }
0x77: {  	_ =	shalt  }
0x78: {  	_ =	shalt  }
0x79: {  	_ =	shalt  }
0x7a: {  	_ =	shalt  }
0x7b: {  	_ =	shalt  }
0x7c: {  	_ =	shalt  }
0x7d: {  	_ =	shalt  }
0x7e: {  	_ =	shalt  }
0x7f: {  	_ =	shalt  }
0x80: {  	_ =	shalt  }
0x81: {  	_ =	shalt  }
0x82: {  	_ =	shalt  }
0x83: {  	_ =	shalt  }
0x84: {  	_ =	shalt  }
0x85: {  	_ =	shalt  }
0x86: {  	_ =	shalt  }
0x87: {  	_ =	shalt  }
.Lfunc_end0:
.L_simem_size_0:
called_computation_lowered:
.L_overlay_start_0:
0x88: {  	s2 =	sld [smem:$0x3FD9]  }
0x89: {  	s3 =	sld [smem:$0x3FFE];
	_ =	sdelay $0x1  }
0x8a: {  	s1 =	srdreg.scid  }
0x8b: {  	s0 =	sand.u32 $0x1, s1  }
0x8c: {  	s18 =	sshll.u32 s0, $0xA;
	s2 =	sadd.s32 s3, s2  }
0x8d: {  	s2 =	sadd.s32 s2, s18  }
0x8e: {  	[smem:$0x3FC7] =	sst s2  }
0x8f: {  	_ = 	snop  }
0x90: {  	s2 =	sld [smem:$0x3FC9]  }
0x91: {  	s19 =	sld [smem:$0x3FD0];
	(tm) =	ssettm $0x1  }
0x92: {  	s4 =	sld [smem:$0x3FFB];
	_ =	sdelay $0x3  }
0x93: {  	_ =	strace s4  }
0x94: {  	s4 =	sld [smem:$0x3FFC];
	_ =	sdelay $0x3  }
0x95: {  	_ =	strace s4  }
0x96: {  	s4 =	sld [smem:$0x3FFD];
	_ =	sdelay $0x3  }
0x97: {  	_ =	strace s4  }
0x98: {  	_ =	strace $0x8FFFFFFF  }
0x99: {  	s20 =	sld [smem:$0x3FDB];
	_ =	sdelay $0x1  }
0x9a: {  	s5 =	simm.s32 $_scs_section_size  }
0x9b: {  	s6 =	simm.s32 $_size__tile_overlayer_lowered;
	s7 =	simm.s32 $_tile_overlayer_lowered  }
0x9c: {  	s23 =	simm.s32 $0x1BFF;
	s22 =	sshll.u32 s7, $0x1;
	s4 =	sadd.s32 s5, s20  }
0x9d: {  	s8 =	simm.s32 $0x0;
	s21 =	sshll.u32 s6, $0x1;
	s6 =	sadd.s32 s22, s4  }
0x9e: {  	[timem:s8], [sflag:s23] =	dma.local [hbm:s6], s21  }
0x9f: {  	_ =	swait.ge [sflag:s23], s21  }
0xa0: {  	s5 =	ssub.s32 $0x0, s21;
	[sflag:s23] =	ssyncset.done $0x0  }
0xa1: {  	[sflag:s23] =	ssyncadd.s32 s5;
	_ =	sdelay $0x1  }
0xa2: {  	s24 =	simm.s32 $0x1B8B  }
0xa3: {  	_ =	swait.ge [sflag:s24], $0x1  }
0xa4: {  	[sflag:s24] =	ssyncset.done $0x0  }
0xa5: {  	s25 =	simm.s32 $0x1B8E;
	[sflag:s24] =	ssyncadd.s32 $0xFFFFFFFF  }
0xa6: {  	s26 =	simm.s32 $execute0_lowered;
	[smem:$0x3FD2] =	sst s25  }
0xa7: {  	s5 =	sshll.u32 s26, $0x1;
	_ =	strace $0x80000046;
	[dreg:$0x1] =	wrdreg $0xFFFFFFFF  }
0xa8: {  	s28 =	simm.s32 $_size_execute0_lowered;
	s4 =	sadd.s32 s4, s5;
	[dreg:$0x0] =	wrdreg $0x0  }
0xa9: {  	s5 =	sshll.u32 s28, $0x1;
	[dreg:$0x2] =	wrdreg s4  }
0xaa: {  	[dreg:$0x3] =	wrdreg s5  }
0xab: {  	[dreg:$0x4] =	wrdreg $0xC0  }
0xac: {  	_ =	task [dreg:s8], $0x5FFFF  }
0xad: {  	[dreg:$0x1] =	wrdreg $0xFFFFFFFF  }
0xae: {  	[dreg:$0x0] =	wrdreg $0x60  }
0xaf: {  	[dreg:$0x2] =	wrdreg s2  }
0xb0: {  	[dreg:$0x3] =	wrdreg s19  }
0xb1: {  	[dreg:$0x4] =	wrdreg $0x9  }
0xb2: {  	_ =	task.clear_ibuf [dreg:s8], $0x5FFFF;
	_ =	strace $0x90000046  }
0xb3: {  	s29 =	simm.s32 $0x9;
	_ =	strace $0x80000048  }
0xb4: {  	_ =	swait.ge [sflag:s29], $0x1  }
0xb5: {  	[sflag:s29] =	ssyncadd.s32 $0xFFFFFFFF  }
0xb6: {  	_ =	strace $0x90000048  }
0xb7: {  	_ =	sfence  }
0xb8: {  	s30 =	sld [smem:$0x0];
	_ =	sdelay $0x2  }
0xb9: {  	s31 =	sshll.u32 s1, $0xD;
	s1 =	sshrl.u32 s1, $0x2  }
0xba: {  	s3 =	sand.u32 $0x4000, s31;
	s1 =	sadd.s32 s1, s30  }
0xbb: {  	s0 =	sor.u32 s3, s0;
	s1 =	sshll.u32 s1, $0x11  }
0xbc: {  	s0 =	sor.u32 s1, s0  }
0xbd: {  	s0 =	sadd.s32 $0x8F2B, s0  }
0xbe: {  	[sflag:s0] =	ssyncadd.remote.s32 $0x1  }
0xbf: {  	_ =	sfence.sel $0xFFFF  }
0xc0: {  	[dreg:$0x0] =	wrdreg $0xFFFFFFFF;
	(pc) =	sbr.abs _section_cstart, $3  }
0xc1: {  	[dreg:$0x1] =	wrdreg $0xFFFFFFFF  }
0xc2: {  	_ =	task.clear_ibuf [dreg:s8], $0x2FFFF;
	_ =	strace $0x9FFFFFFF  }
0xc3: {  	(tm) =	ssettm $0x7FFFFFFF  }
tec
execute0_lowered:
.L_overlay_start_1:
0x0: {  	(tag) =	ssettag $0x1  }
0x1: {  	s0 =	srdreg.scid;
	s1 =	stileid.u32  }
0x2: {  	s0 =	sand.u32 $0x1, s0;
	s1 =	sshll.u32 s1, $0x1  }
0x3: {  	s1 =	sor.u32 s0, s1  }
0x4: {  	s4 =	smul.u32 $0x138800, s1  }
0x5: {  	s1 =	smul.u32 $0x27100, s1  }
0x6: {  	s2 =	rddreg [dreg:$0x1];
	s3 =	simm.s32 $0x0;
	s4 =	sshrl.u32 s4, $0x3  }
0x7: {  	[smem:$0x7FF] =	sst s3;
	s8 =	sadd.s32 s2, s1;
	s13 =	sadd.s32 s2, s4  }
0x8: {  	_ =	strace $0x80000047;
	[dreg:$0x3] =	wrdreg s8;
	s9 =	sadd.s32 $0x1000, s13  }
0x9: {  	s10 =	sadd.s32 $0x2000, s13;
	[dreg:$0x4] =	wrdreg s9  }
0xa: {  	s0 =	ssub.s32 $0x2, s0;
	s11 =	sadd.s32 $0x3000, s13;
	[dreg:$0x5] =	wrdreg s10  }
0xb: {  	s5 =	sshrl.u32 s0, $0x1;
	s12 =	sadd.s32 $0x4000, s13;
	[dreg:$0x6] =	wrdreg s11  }
0xc: {  	s14 =	ssub.s32 s0, s5;
	s15 =	sadd.s32 $0x5000, s13;
	[dreg:$0x7] =	wrdreg s12  }
0xd: {  	s14 =	smax.u32 s14, $0x1;
	s16 =	sadd.s32 $0x6000, s13;
	[dreg:$0x8] =	wrdreg s15  }
0xe: {  	s17 =	sadd.s32 $0x7000, s13;
	s18 =	sadd.s32 $0x8000, s13;
	[dreg:$0x9] =	wrdreg s16  }
0xf: {  	s19 =	sadd.s32 $0x9000, s13;
	s20 =	sadd.s32 $0xA000, s13;
	[dreg:$0xa] =	wrdreg s17  }
0x10: {  	s21 =	sadd.s32 $0xB000, s13;
	s22 =	sadd.s32 $0xC000, s13;
	[dreg:$0xb] =	wrdreg s18  }
0x11: {  	s23 =	sadd.s32 $0xD000, s13;
	s24 =	sadd.s32 $0xE000, s13;
	[dreg:$0xc] =	wrdreg s19  }
0x12: {  	s25 =	sadd.s32 $0xF000, s13;
	s26 =	sadd.s32 $0x10000, s13;
	[dreg:$0xd] =	wrdreg s20  }
0x13: {  	s28 =	sadd.s32 $0x17000, s13;
	s29 =	sadd.s32 $0x18000, s13;
	[dreg:$0xe] =	wrdreg s21  }
0x14: {  	s30 =	sadd.s32 $0x19000, s13;
	s31 =	sadd.s32 $0x1A000, s13;
	[dreg:$0xf] =	wrdreg s22  }
0x15: {  	s1 =	sadd.s32 $0x1B000, s13;
	s0 =	sadd.s32 $0x1C000, s13;
	[dreg:$0x10] =	wrdreg s23  }
0x16: {  	s2 =	sadd.s32 $0x1D000, s13;
	s4 =	sadd.s32 $0x1E000, s13;
	[dreg:$0x11] =	wrdreg s24  }
0x17: {  	s5 =	sadd.s32 $0x1F000, s13;
	s6 =	sadd.s32 $0x20000, s13;
	[dreg:$0x12] =	wrdreg s25  }
0x18: {  	s7 =	sadd.s32 $0x21000, s13;
	s8 =	sadd.s32 $0x22000, s13;
	[dreg:$0x13] =	wrdreg s26  }
0x19: {  	s21 =	sadd.s32 $0x11000, s13;
	s22 =	sadd.s32 $0x12000, s13;
	s23 =	sadd.s32 $0x13000, s13  }
0x1a: {  	s24 =	sadd.s32 $0x14000, s13;
	s25 =	sadd.s32 $0x15000, s13;
	s26 =	sadd.s32 $0x16000, s13  }
0x1b: {  	s9 =	sadd.s32 $0x23000, s13;
	s10 =	sadd.s32 $0x24000, s13;
	s11 =	sadd.s32 $0x25000, s13  }
0x1c: {  	s12 =	sadd.s32 $0x26000, s13;
	s13 =	sadd.s32 $0x27000, s13;
	s15 =	simm.s32 $0x2  }
0x1d: {  	s16 =	simm.s32 $0x80;
	s17 =	simm.s32 $0x1;
	s18 =	simm.s32 $0x0  }
.LBB2_1:
0x1e: {  	s19 =	rddreg [dreg:$0x0]  }
0x1f: {  	[tilespmem:s3], [sflag:$0x2] =	stream.linear.gather [hbm4b:s19+s3], $0x80, $0x38;
	[tilespmem:$0x8080] =	vst v63  }
0x20: {  	_ =	swait.ge [sflag:s15], $0x80  }
0x21: {  	[sflag:s15] =	ssyncset.done $0x0  }
0x22: {  	[sflag:s15] =	ssyncadd.s32 $0xFFFFFF80  }
0x23: {  	v0 =	vld [tilespmem:$0x0]  }
0x24: {  	v1 =	vld [tilespmem:$0x10]  }
0x25: {  	v2 =	vld [tilespmem:$0x20]  }
0x26: {  	v7 =	vld [tilespmem:$0x70]  }
0x27: {  	v3 =	vld [tilespmem:$0x30]  }
0x28: {  	v4 =	vld [tilespmem:$0x40]  }
0x29: {  	v5 =	vld [tilespmem:$0x50]  }
0x2a: {  	s20 =	simm.s32 $0x1000;
	s19 =	simm.s32 $0x0;
	v6 =	vld [tilespmem:$0x60]  }
.LBB2_2:
0x2b: {  	p0 =	sne.s32 s20, $0x1F000;
	[tilespmem:s19+$0x470] =	vst v7  }
0x2c: {  	[tilespmem:s19+$0x80] =	vst v0  }
0x2d: {  	[tilespmem:s19+$0x90] =	vst v1  }
0x2e: {  	[tilespmem:s19+$0xA0] =	vst v2  }
0x2f: {  	[tilespmem:s19+$0xB0] =	vst v3  }
0x30: {  	[tilespmem:s19+$0xC0] =	vst v4  }
0x31: {  	[tilespmem:s19+$0xD0] =	vst v5  }
0x32: {  	[tilespmem:s19+$0xE0] =	vst v6  }
0x33: {  	[tilespmem:s19+$0xF0] =	vst v7  }
0x34: {  	[tilespmem:s19+$0x100] =	vst v0  }
0x35: {  	[tilespmem:s19+$0x110] =	vst v1  }
0x36: {  	[tilespmem:s19+$0x120] =	vst v2  }
0x37: {  	[tilespmem:s19+$0x130] =	vst v3  }
0x38: {  	[tilespmem:s19+$0x140] =	vst v4  }
0x39: {  	[tilespmem:s19+$0x150] =	vst v5  }
0x3a: {  	[tilespmem:s19+$0x160] =	vst v6  }
0x3b: {  	[tilespmem:s19+$0x170] =	vst v7  }
0x3c: {  	[tilespmem:s19+$0x180] =	vst v0  }
0x3d: {  	[tilespmem:s19+$0x190] =	vst v1  }
0x3e: {  	[tilespmem:s19+$0x1A0] =	vst v2  }
0x3f: {  	[tilespmem:s19+$0x1B0] =	vst v3  }
0x40: {  	[tilespmem:s19+$0x1C0] =	vst v4  }
0x41: {  	[tilespmem:s19+$0x1D0] =	vst v5  }
0x42: {  	[tilespmem:s19+$0x1E0] =	vst v6  }
0x43: {  	[tilespmem:s19+$0x1F0] =	vst v7  }
0x44: {  	[tilespmem:s19+$0x200] =	vst v0  }
0x45: {  	[tilespmem:s19+$0x210] =	vst v1  }
0x46: {  	[tilespmem:s19+$0x220] =	vst v2  }
0x47: {  	[tilespmem:s19+$0x230] =	vst v3  }
0x48: {  	[tilespmem:s19+$0x240] =	vst v4  }
0x49: {  	[tilespmem:s19+$0x250] =	vst v5  }
0x4a: {  	[tilespmem:s19+$0x260] =	vst v6  }
0x4b: {  	[tilespmem:s19+$0x270] =	vst v7  }
0x4c: {  	[tilespmem:s19+$0x280] =	vst v0  }
0x4d: {  	[tilespmem:s19+$0x290] =	vst v1  }
0x4e: {  	[tilespmem:s19+$0x2A0] =	vst v2  }
0x4f: {  	[tilespmem:s19+$0x2B0] =	vst v3  }
0x50: {  	[tilespmem:s19+$0x2C0] =	vst v4  }
0x51: {  	[tilespmem:s19+$0x2D0] =	vst v5  }
0x52: {  	[tilespmem:s19+$0x2E0] =	vst v6  }
0x53: {  	[tilespmem:s19+$0x2F0] =	vst v7  }
0x54: {  	[tilespmem:s19+$0x300] =	vst v0  }
0x55: {  	[tilespmem:s19+$0x310] =	vst v1  }
0x56: {  	[tilespmem:s19+$0x320] =	vst v2  }
0x57: {  	[tilespmem:s19+$0x330] =	vst v3  }
0x58: {  	[tilespmem:s19+$0x340] =	vst v4  }
0x59: {  	[tilespmem:s19+$0x350] =	vst v5  }
0x5a: {  	[tilespmem:s19+$0x360] =	vst v6  }
0x5b: {  	[tilespmem:s19+$0x370] =	vst v7  }
0x5c: {  	[tilespmem:s19+$0x380] =	vst v0  }
0x5d: {  	[tilespmem:s19+$0x390] =	vst v1  }
0x5e: {  	[tilespmem:s19+$0x3A0] =	vst v2  }
0x5f: {  	[tilespmem:s19+$0x3B0] =	vst v3  }
0x60: {  	[tilespmem:s19+$0x3C0] =	vst v4  }
0x61: {  	[tilespmem:s19+$0x3D0] =	vst v5  }
0x62: {  	[tilespmem:s19+$0x3E0] =	vst v6  }
0x63: {  	[tilespmem:s19+$0x3F0] =	vst v7  }
0x64: {  	[tilespmem:s19+$0x400] =	vst v0  }
0x65: {  	[tilespmem:s19+$0x410] =	vst v1  }
.Ltmp0:
0x66: {  	[tilespmem:s19+$0x420] =	vst v2;
	(pc) =	sbr.rel @p0 .LBB2_2-.Ltmp0, $4  }
0x67: {  	[tilespmem:s19+$0x430] =	vst v3  }
0x68: {  	[tilespmem:s19+$0x440] =	vst v4  }
0x69: {  	[tilespmem:s19+$0x450] =	vst v5  }
0x6a: {  	[tilespmem:s19+$0x460] =	vst v6;
	s19 =	sshra.s32 s20, $0x2;
	s20 =	sadd.s32 $0x1000, s20  }
0x6b: {  	[tilespmem:s19+$0x470] =	vst v7  }
0x6c: {  	[tilespmem:s19+$0x80] =	vst v0  }
0x6d: {  	[tilespmem:s19+$0x90] =	vst v1  }
0x6e: {  	[tilespmem:s19+$0xA0] =	vst v2  }
0x6f: {  	[tilespmem:s19+$0xB0] =	vst v3  }
0x70: {  	[tilespmem:s19+$0xC0] =	vst v4  }
0x71: {  	[tilespmem:s19+$0xD0] =	vst v5  }
0x72: {  	[tilespmem:s19+$0xE0] =	vst v6  }
0x73: {  	[tilespmem:s19+$0xF0] =	vst v7  }
0x74: {  	[tilespmem:s19+$0x100] =	vst v0  }
0x75: {  	[tilespmem:s19+$0x110] =	vst v1  }
0x76: {  	[tilespmem:s19+$0x120] =	vst v2  }
0x77: {  	[tilespmem:s19+$0x130] =	vst v3  }
0x78: {  	[tilespmem:s19+$0x140] =	vst v4  }
0x79: {  	[tilespmem:s19+$0x150] =	vst v5  }
0x7a: {  	[tilespmem:s19+$0x160] =	vst v6  }
0x7b: {  	[tilespmem:s19+$0x170] =	vst v7  }
0x7c: {  	[tilespmem:s19+$0x180] =	vst v0  }
0x7d: {  	[tilespmem:s19+$0x190] =	vst v1  }
0x7e: {  	[tilespmem:s19+$0x1A0] =	vst v2  }
0x7f: {  	[tilespmem:s19+$0x1B0] =	vst v3  }
0x80: {  	[tilespmem:s19+$0x1C0] =	vst v4  }
0x81: {  	[tilespmem:s19+$0x1D0] =	vst v5  }
0x82: {  	[tilespmem:s19+$0x1E0] =	vst v6  }
0x83: {  	[tilespmem:s19+$0x1F0] =	vst v7  }
0x84: {  	[tilespmem:s19+$0x200] =	vst v0  }
0x85: {  	[tilespmem:s19+$0x210] =	vst v1  }
0x86: {  	[tilespmem:s19+$0x220] =	vst v2  }
0x87: {  	[tilespmem:s19+$0x230] =	vst v3  }
0x88: {  	[tilespmem:s19+$0x240] =	vst v4  }
0x89: {  	[tilespmem:s19+$0x250] =	vst v5  }
0x8a: {  	[tilespmem:s19+$0x260] =	vst v6  }
0x8b: {  	[tilespmem:s19+$0x270] =	vst v7  }
0x8c: {  	[tilespmem:s19+$0x280] =	vst v0  }
0x8d: {  	[tilespmem:s19+$0x290] =	vst v1  }
0x8e: {  	[tilespmem:s19+$0x2A0] =	vst v2  }
0x8f: {  	[tilespmem:s19+$0x2B0] =	vst v3  }
0x90: {  	[tilespmem:s19+$0x2C0] =	vst v4  }
0x91: {  	[tilespmem:s19+$0x2D0] =	vst v5  }
0x92: {  	[tilespmem:s19+$0x2E0] =	vst v6  }
0x93: {  	[tilespmem:s19+$0x2F0] =	vst v7  }
0x94: {  	[tilespmem:s19+$0x300] =	vst v0  }
0x95: {  	[tilespmem:s19+$0x310] =	vst v1  }
0x96: {  	[tilespmem:s19+$0x320] =	vst v2  }
0x97: {  	[tilespmem:s19+$0x330] =	vst v3  }
0x98: {  	[tilespmem:s19+$0x340] =	vst v4  }
0x99: {  	[tilespmem:s19+$0x350] =	vst v5  }
0x9a: {  	[tilespmem:s19+$0x360] =	vst v6  }
0x9b: {  	[tilespmem:s19+$0x370] =	vst v7  }
0x9c: {  	[tilespmem:s19+$0x380] =	vst v0  }
0x9d: {  	[tilespmem:s19+$0x390] =	vst v1  }
0x9e: {  	[tilespmem:s19+$0x3A0] =	vst v2  }
0x9f: {  	[tilespmem:s19+$0x3B0] =	vst v3  }
0xa0: {  	[tilespmem:s19+$0x3C0] =	vst v4  }
0xa1: {  	[tilespmem:s19+$0x3D0] =	vst v5  }
0xa2: {  	[tilespmem:s19+$0x3E0] =	vst v6  }
0xa3: {  	[tilespmem:s19+$0x3F0] =	vst v7  }
0xa4: {  	[tilespmem:s19+$0x400] =	vst v0  }
0xa5: {  	[tilespmem:s19+$0x410] =	vst v1  }
0xa6: {  	[tilespmem:s19+$0x420] =	vst v2  }
0xa7: {  	[tilespmem:s19+$0x430] =	vst v3  }
0xa8: {  	[tilespmem:s19+$0x440] =	vst v4  }
0xa9: {  	[tilespmem:s19+$0x450] =	vst v5  }
0xaa: {  	[tilespmem:s19+$0x460] =	vst v6;
	s20 =	rddreg [dreg:$0x3]  }
0xab: {  	[hbm4b:s20+s3] =	stream.linear.scatter [tilespmem:s16], [sflag:$0x1], $0x8000, $0x38;
	[tilespmem:$0x8080] =	vst v63  }
0xac: {  	s20 =	rddreg [dreg:$0x4]  }
0xad: {  	[hbm4b:s20+s3] =	stream.linear.scatter [tilespmem:s16], [sflag:$0x1], $0x8000, $0x38;
	[tilespmem:$0x8080] =	vst v63  }
0xae: {  	s20 =	rddreg [dreg:$0x5]  }
0xaf: {  	[hbm4b:s20+s3] =	stream.linear.scatter [tilespmem:s16], [sflag:$0x1], $0x8000, $0x38;
	[tilespmem:$0x8080] =	vst v63  }
0xb0: {  	s20 =	rddreg [dreg:$0x6]  }
0xb1: {  	[hbm4b:s20+s3] =	stream.linear.scatter [tilespmem:s16], [sflag:$0x1], $0x8000, $0x38;
	[tilespmem:$0x8080] =	vst v63  }
0xb2: {  	s20 =	rddreg [dreg:$0x7]  }
0xb3: {  	[hbm4b:s20+s3] =	stream.linear.scatter [tilespmem:s16], [sflag:$0x1], $0x8000, $0x38;
	[tilespmem:$0x8080] =	vst v63  }
0xb4: {  	s20 =	rddreg [dreg:$0x8]  }
0xb5: {  	[hbm4b:s20+s3] =	stream.linear.scatter [tilespmem:s16], [sflag:$0x1], $0x8000, $0x38;
	[tilespmem:$0x8080] =	vst v63  }
0xb6: {  	s20 =	rddreg [dreg:$0x9]  }
0xb7: {  	[hbm4b:s20+s3] =	stream.linear.scatter [tilespmem:s16], [sflag:$0x1], $0x8000, $0x38;
	[tilespmem:$0x8080] =	vst v63  }
0xb8: {  	s20 =	rddreg [dreg:$0xa]  }
0xb9: {  	[hbm4b:s20+s3] =	stream.linear.scatter [tilespmem:s16], [sflag:$0x1], $0x8000, $0x38;
	[tilespmem:$0x8080] =	vst v63  }
0xba: {  	s20 =	rddreg [dreg:$0xb]  }
0xbb: {  	[hbm4b:s20+s3] =	stream.linear.scatter [tilespmem:s16], [sflag:$0x1], $0x8000, $0x38;
	[tilespmem:$0x8080] =	vst v63  }
0xbc: {  	s20 =	rddreg [dreg:$0xc]  }
0xbd: {  	[hbm4b:s20+s3] =	stream.linear.scatter [tilespmem:s16], [sflag:$0x1], $0x8000, $0x38;
	[tilespmem:$0x8080] =	vst v63  }
0xbe: {  	s20 =	rddreg [dreg:$0xd]  }
0xbf: {  	[hbm4b:s20+s3] =	stream.linear.scatter [tilespmem:s16], [sflag:$0x1], $0x8000, $0x38;
	[tilespmem:$0x8080] =	vst v63  }
0xc0: {  	s20 =	rddreg [dreg:$0xe]  }
0xc1: {  	[hbm4b:s20+s3] =	stream.linear.scatter [tilespmem:s16], [sflag:$0x1], $0x8000, $0x38;
	[tilespmem:$0x8080] =	vst v63  }
0xc2: {  	s20 =	rddreg [dreg:$0xf]  }
0xc3: {  	[hbm4b:s20+s3] =	stream.linear.scatter [tilespmem:s16], [sflag:$0x1], $0x8000, $0x38;
	[tilespmem:$0x8080] =	vst v63  }
0xc4: {  	s20 =	rddreg [dreg:$0x10]  }
0xc5: {  	[hbm4b:s20+s3] =	stream.linear.scatter [tilespmem:s16], [sflag:$0x1], $0x8000, $0x38;
	[tilespmem:$0x8080] =	vst v63  }
0xc6: {  	s20 =	rddreg [dreg:$0x11]  }
0xc7: {  	[hbm4b:s20+s3] =	stream.linear.scatter [tilespmem:s16], [sflag:$0x1], $0x8000, $0x38;
	[tilespmem:$0x8080] =	vst v63  }
0xc8: {  	s20 =	rddreg [dreg:$0x12]  }
0xc9: {  	[hbm4b:s20+s3] =	stream.linear.scatter [tilespmem:s16], [sflag:$0x1], $0x8000, $0x38;
	[tilespmem:$0x8080] =	vst v63  }
0xca: {  	s20 =	rddreg [dreg:$0x13]  }
0xcb: {  	[hbm4b:s20+s3] =	stream.linear.scatter [tilespmem:s16], [sflag:$0x1], $0x8000, $0x38;
	[tilespmem:$0x8080] =	vst v63  }
0xcc: {  	_ = 	snop  }
0xcd: {  	[hbm4b:s21+s3] =	stream.linear.scatter [tilespmem:s16], [sflag:$0x1], $0x8000, $0x38;
	[tilespmem:$0x8080] =	vst v63  }
0xce: {  	_ = 	snop  }
0xcf: {  	[hbm4b:s22+s3] =	stream.linear.scatter [tilespmem:s16], [sflag:$0x1], $0x8000, $0x38;
	[tilespmem:$0x8080] =	vst v63  }
0xd0: {  	_ = 	snop  }
0xd1: {  	[hbm4b:s23+s3] =	stream.linear.scatter [tilespmem:s16], [sflag:$0x1], $0x8000, $0x38;
	[tilespmem:$0x8080] =	vst v63  }
0xd2: {  	_ = 	snop  }
0xd3: {  	[hbm4b:s24+s3] =	stream.linear.scatter [tilespmem:s16], [sflag:$0x1], $0x8000, $0x38;
	[tilespmem:$0x8080] =	vst v63  }
0xd4: {  	_ = 	snop  }
0xd5: {  	[hbm4b:s25+s3] =	stream.linear.scatter [tilespmem:s16], [sflag:$0x1], $0x8000, $0x38;
	[tilespmem:$0x8080] =	vst v63  }
0xd6: {  	_ = 	snop  }
0xd7: {  	[hbm4b:s26+s3] =	stream.linear.scatter [tilespmem:s16], [sflag:$0x1], $0x8000, $0x38;
	[tilespmem:$0x8080] =	vst v63  }
0xd8: {  	_ = 	snop  }
0xd9: {  	[hbm4b:s28+s3] =	stream.linear.scatter [tilespmem:s16], [sflag:$0x1], $0x8000, $0x38;
	[tilespmem:$0x8080] =	vst v63  }
0xda: {  	_ = 	snop  }
0xdb: {  	[hbm4b:s29+s3] =	stream.linear.scatter [tilespmem:s16], [sflag:$0x1], $0x8000, $0x38;
	[tilespmem:$0x8080] =	vst v63  }
0xdc: {  	_ = 	snop  }
0xdd: {  	[hbm4b:s30+s3] =	stream.linear.scatter [tilespmem:s16], [sflag:$0x1], $0x8000, $0x38;
	[tilespmem:$0x8080] =	vst v63  }
0xde: {  	_ = 	snop  }
0xdf: {  	[hbm4b:s31+s3] =	stream.linear.scatter [tilespmem:s16], [sflag:$0x1], $0x8000, $0x38;
	[tilespmem:$0x8080] =	vst v63  }
0xe0: {  	_ = 	snop  }
0xe1: {  	[hbm4b:s1+s3] =	stream.linear.scatter [tilespmem:s16], [sflag:$0x1], $0x8000, $0x38;
	[tilespmem:$0x8080] =	vst v63  }
0xe2: {  	_ = 	snop  }
0xe3: {  	[hbm4b:s0+s3] =	stream.linear.scatter [tilespmem:s16], [sflag:$0x1], $0x8000, $0x38;
	[tilespmem:$0x8080] =	vst v63  }
0xe4: {  	_ = 	snop  }
0xe5: {  	[hbm4b:s2+s3] =	stream.linear.scatter [tilespmem:s16], [sflag:$0x1], $0x8000, $0x38;
	[tilespmem:$0x8080] =	vst v63  }
0xe6: {  	_ = 	snop  }
0xe7: {  	[hbm4b:s4+s3] =	stream.linear.scatter [tilespmem:s16], [sflag:$0x1], $0x8000, $0x38;
	[tilespmem:$0x8080] =	vst v63  }
0xe8: {  	_ = 	snop  }
0xe9: {  	[hbm4b:s5+s3] =	stream.linear.scatter [tilespmem:s16], [sflag:$0x1], $0x8000, $0x38;
	[tilespmem:$0x8080] =	vst v63  }
0xea: {  	_ = 	snop  }
0xeb: {  	[hbm4b:s6+s3] =	stream.linear.scatter [tilespmem:s16], [sflag:$0x1], $0x8000, $0x38;
	[tilespmem:$0x8080] =	vst v63  }
0xec: {  	_ = 	snop  }
0xed: {  	[hbm4b:s7+s3] =	stream.linear.scatter [tilespmem:s16], [sflag:$0x1], $0x8000, $0x38;
	[tilespmem:$0x8080] =	vst v63  }
0xee: {  	_ = 	snop  }
0xef: {  	[hbm4b:s8+s3] =	stream.linear.scatter [tilespmem:s16], [sflag:$0x1], $0x8000, $0x38;
	[tilespmem:$0x8080] =	vst v63  }
0xf0: {  	_ = 	snop  }
0xf1: {  	[hbm4b:s9+s3] =	stream.linear.scatter [tilespmem:s16], [sflag:$0x1], $0x8000, $0x38;
	[tilespmem:$0x8080] =	vst v63  }
0xf2: {  	_ = 	snop  }
0xf3: {  	[hbm4b:s10+s3] =	stream.linear.scatter [tilespmem:s16], [sflag:$0x1], $0x8000, $0x38;
	[tilespmem:$0x8080] =	vst v63  }
0xf4: {  	_ = 	snop  }
0xf5: {  	[hbm4b:s11+s3] =	stream.linear.scatter [tilespmem:s16], [sflag:$0x1], $0x8000, $0x38;
	[tilespmem:$0x8080] =	vst v63  }
0xf6: {  	_ = 	snop  }
0xf7: {  	[hbm4b:s12+s3] =	stream.linear.scatter [tilespmem:s16], [sflag:$0x1], $0x8000, $0x38;
	[tilespmem:$0x8080] =	vst v63  }
0xf8: {  	_ = 	snop  }
0xf9: {  	[hbm4b:s13+s3] =	stream.linear.scatter [tilespmem:s16], [sflag:$0x1], $0x800, $0x38;
	[tilespmem:$0x8080] =	vst v63  }
0xfa: {  	_ =	swait.ge [sflag:s17], $0x8000  }
0xfb: {  	[sflag:s17] =	ssyncset.done $0x0  }
0xfc: {  	[sflag:s17] =	ssyncadd.s32 $0xFFFF8000  }
0xfd: {  	_ =	swait.ge [sflag:s17], $0x8000  }
0xfe: {  	[sflag:s17] =	ssyncset.done $0x0  }
0xff: {  	[sflag:s17] =	ssyncadd.s32 $0xFFFF8000  }
0x100: {  	_ =	swait.ge [sflag:s17], $0x8000  }
0x101: {  	[sflag:s17] =	ssyncset.done $0x0  }
0x102: {  	[sflag:s17] =	ssyncadd.s32 $0xFFFF8000  }
0x103: {  	_ =	swait.ge [sflag:s17], $0x8000  }
0x104: {  	[sflag:s17] =	ssyncset.done $0x0  }
0x105: {  	[sflag:s17] =	ssyncadd.s32 $0xFFFF8000  }
0x106: {  	_ =	swait.ge [sflag:s17], $0x8000  }
0x107: {  	[sflag:s17] =	ssyncset.done $0x0  }
0x108: {  	[sflag:s17] =	ssyncadd.s32 $0xFFFF8000  }
0x109: {  	_ =	swait.ge [sflag:s17], $0x8000  }
0x10a: {  	[sflag:s17] =	ssyncset.done $0x0  }
0x10b: {  	[sflag:s17] =	ssyncadd.s32 $0xFFFF8000  }
0x10c: {  	_ =	swait.ge [sflag:s17], $0x8000  }
0x10d: {  	[sflag:s17] =	ssyncset.done $0x0  }
0x10e: {  	[sflag:s17] =	ssyncadd.s32 $0xFFFF8000  }
0x10f: {  	_ =	swait.ge [sflag:s17], $0x8000  }
0x110: {  	[sflag:s17] =	ssyncset.done $0x0  }
0x111: {  	[sflag:s17] =	ssyncadd.s32 $0xFFFF8000  }
0x112: {  	_ =	swait.ge [sflag:s17], $0x8000  }
0x113: {  	[sflag:s17] =	ssyncset.done $0x0  }
0x114: {  	[sflag:s17] =	ssyncadd.s32 $0xFFFF8000  }
0x115: {  	_ =	swait.ge [sflag:s17], $0x8000  }
0x116: {  	[sflag:s17] =	ssyncset.done $0x0  }
0x117: {  	[sflag:s17] =	ssyncadd.s32 $0xFFFF8000  }
0x118: {  	_ =	swait.ge [sflag:s17], $0x8000  }
0x119: {  	[sflag:s17] =	ssyncset.done $0x0  }
0x11a: {  	[sflag:s17] =	ssyncadd.s32 $0xFFFF8000  }
0x11b: {  	_ =	swait.ge [sflag:s17], $0x8000  }
0x11c: {  	[sflag:s17] =	ssyncset.done $0x0  }
0x11d: {  	[sflag:s17] =	ssyncadd.s32 $0xFFFF8000  }
0x11e: {  	_ =	swait.ge [sflag:s17], $0x8000  }
0x11f: {  	[sflag:s17] =	ssyncset.done $0x0  }
0x120: {  	[sflag:s17] =	ssyncadd.s32 $0xFFFF8000  }
0x121: {  	_ =	swait.ge [sflag:s17], $0x8000  }
0x122: {  	[sflag:s17] =	ssyncset.done $0x0  }
0x123: {  	[sflag:s17] =	ssyncadd.s32 $0xFFFF8000  }
0x124: {  	_ =	swait.ge [sflag:s17], $0x8000  }
0x125: {  	[sflag:s17] =	ssyncset.done $0x0  }
0x126: {  	[sflag:s17] =	ssyncadd.s32 $0xFFFF8000  }
0x127: {  	_ =	swait.ge [sflag:s17], $0x8000  }
0x128: {  	[sflag:s17] =	ssyncset.done $0x0  }
0x129: {  	[sflag:s17] =	ssyncadd.s32 $0xFFFF8000  }
0x12a: {  	_ =	swait.ge [sflag:s17], $0x8000  }
0x12b: {  	[sflag:s17] =	ssyncset.done $0x0  }
0x12c: {  	[sflag:s17] =	ssyncadd.s32 $0xFFFF8000  }
0x12d: {  	_ =	swait.ge [sflag:s17], $0x8000  }
0x12e: {  	[sflag:s17] =	ssyncset.done $0x0  }
0x12f: {  	[sflag:s17] =	ssyncadd.s32 $0xFFFF8000  }
0x130: {  	_ =	swait.ge [sflag:s17], $0x8000  }
0x131: {  	[sflag:s17] =	ssyncset.done $0x0  }
0x132: {  	[sflag:s17] =	ssyncadd.s32 $0xFFFF8000  }
0x133: {  	_ =	swait.ge [sflag:s17], $0x8000  }
0x134: {  	[sflag:s17] =	ssyncset.done $0x0  }
0x135: {  	[sflag:s17] =	ssyncadd.s32 $0xFFFF8000  }
0x136: {  	_ =	swait.ge [sflag:s17], $0x8000  }
0x137: {  	[sflag:s17] =	ssyncset.done $0x0  }
0x138: {  	[sflag:s17] =	ssyncadd.s32 $0xFFFF8000  }
0x139: {  	_ =	swait.ge [sflag:s17], $0x8000  }
0x13a: {  	[sflag:s17] =	ssyncset.done $0x0  }
0x13b: {  	[sflag:s17] =	ssyncadd.s32 $0xFFFF8000  }
0x13c: {  	_ =	swait.ge [sflag:s17], $0x8000  }
0x13d: {  	[sflag:s17] =	ssyncset.done $0x0  }
0x13e: {  	[sflag:s17] =	ssyncadd.s32 $0xFFFF8000  }
0x13f: {  	_ =	swait.ge [sflag:s17], $0x8000  }
0x140: {  	[sflag:s17] =	ssyncset.done $0x0  }
0x141: {  	[sflag:s17] =	ssyncadd.s32 $0xFFFF8000  }
0x142: {  	_ =	swait.ge [sflag:s17], $0x8000  }
0x143: {  	[sflag:s17] =	ssyncset.done $0x0  }
0x144: {  	[sflag:s17] =	ssyncadd.s32 $0xFFFF8000  }
0x145: {  	_ =	swait.ge [sflag:s17], $0x8000  }
0x146: {  	[sflag:s17] =	ssyncset.done $0x0  }
0x147: {  	[sflag:s17] =	ssyncadd.s32 $0xFFFF8000  }
0x148: {  	_ =	swait.ge [sflag:s17], $0x8000  }
0x149: {  	[sflag:s17] =	ssyncset.done $0x0  }
0x14a: {  	[sflag:s17] =	ssyncadd.s32 $0xFFFF8000  }
0x14b: {  	_ =	swait.ge [sflag:s17], $0x8000  }
0x14c: {  	[sflag:s17] =	ssyncset.done $0x0  }
0x14d: {  	[sflag:s17] =	ssyncadd.s32 $0xFFFF8000  }
0x14e: {  	_ =	swait.ge [sflag:s17], $0x8000  }
0x14f: {  	[sflag:s17] =	ssyncset.done $0x0  }
0x150: {  	[sflag:s17] =	ssyncadd.s32 $0xFFFF8000  }
0x151: {  	_ =	swait.ge [sflag:s17], $0x8000  }
0x152: {  	[sflag:s17] =	ssyncset.done $0x0  }
0x153: {  	[sflag:s17] =	ssyncadd.s32 $0xFFFF8000  }
0x154: {  	_ =	swait.ge [sflag:s17], $0x8000  }
0x155: {  	[sflag:s17] =	ssyncset.done $0x0  }
0x156: {  	[sflag:s17] =	ssyncadd.s32 $0xFFFF8000  }
0x157: {  	_ =	swait.ge [sflag:s17], $0x8000  }
0x158: {  	[sflag:s17] =	ssyncset.done $0x0  }
0x159: {  	[sflag:s17] =	ssyncadd.s32 $0xFFFF8000  }
0x15a: {  	_ =	swait.ge [sflag:s17], $0x8000  }
0x15b: {  	[sflag:s17] =	ssyncset.done $0x0  }
0x15c: {  	[sflag:s17] =	ssyncadd.s32 $0xFFFF8000  }
0x15d: {  	_ =	swait.ge [sflag:s17], $0x8000  }
0x15e: {  	[sflag:s17] =	ssyncset.done $0x0  }
0x15f: {  	[sflag:s17] =	ssyncadd.s32 $0xFFFF8000  }
0x160: {  	_ =	swait.ge [sflag:s17], $0x8000  }
0x161: {  	[sflag:s17] =	ssyncset.done $0x0  }
0x162: {  	[sflag:s17] =	ssyncadd.s32 $0xFFFF8000  }
0x163: {  	_ =	swait.ge [sflag:s17], $0x8000  }
0x164: {  	[sflag:s17] =	ssyncset.done $0x0  }
0x165: {  	[sflag:s17] =	ssyncadd.s32 $0xFFFF8000  }
0x166: {  	_ =	swait.ge [sflag:s17], $0x8000  }
0x167: {  	[sflag:s17] =	ssyncset.done $0x0  }
0x168: {  	[sflag:s17] =	ssyncadd.s32 $0xFFFF8000  }
0x169: {  	_ =	swait.ge [sflag:s17], $0x8000  }
0x16a: {  	[sflag:s17] =	ssyncset.done $0x0  }
0x16b: {  	s18 =	sadd.s32 $0x1, s18;
	[sflag:s17] =	ssyncadd.s32 $0xFFFF8000  }
0x16c: {  	p0 =	sne.s32 s18, s14;
	_ =	swait.ge [sflag:s17], $0x8000  }
.Ltmp1:
0x16d: {  	[sflag:s17] =	ssyncset.done $0x0;
	(pc) =	sbr.rel @p0 .LBB2_1-.Ltmp1, $4  }
0x16e: {  	[sflag:s17] =	ssyncadd.s32 $0xFFFF8000  }
0x16f: {  	_ =	swait.ge [sflag:s17], $0x800  }
0x170: {  	[sflag:s17] =	ssyncset.done $0x0  }
0x171: {  	[sflag:s17] =	ssyncadd.s32 $0xFFFFF800  }
0x172: {  	_ =	sfence.sel $0x180000  }
0x173: {  	[bflag:$0x0] =	sbarrier.arrive $0xFFFF  }
0x174: {  	_ =	strace $0x90000047  }
0x175: {  	s0 =	stileid.u32;
	[bflag:$0x2] =	sbarrier.arrive $0xFFFF  }
0x176: {  	p0 =	sne.s32 s0, $0x0;
	s0 =	rddreg [dreg:$0x2]  }
0x177: {  	s0 =	sadd.s32 @!p0 $0x100000, s0  }
0x178: {  	[sflag:s0] =	ssyncadd.tile.s32 @!p0 $0x1;
	_ =	shalt  }
.Lfunc_end2:
_tile_overlayer_lowered:
.L_overlay_start_2:
0x179: {  	(tag) =	ssettag $0x2  }
0x17a: {  	s0 =	rddreg [dreg:$0x0];
	s2 =	stileid.u32  }
0x17b: {  	s1 =	rddreg [dreg:$0x1];
	p0 =	sne.s32 s2, $0x0  }
0x17c: {  	s3 =	rddreg [dreg:$0x2];
	[bflag:$0x3] =	sbarrier.arrive $0xFFFF;
	s2 =	simm.s32 @!p0 $0x1C02  }
0x17d: {  	[timem:s3], [sflag:s2] =	dma.local @!p0 [hbm:s0], s1  }
0x17e: {  	s0 =	simm.s32 @!p0 $0x2  }
0x17f: {  	_ =	swait.ge @!p0 [sflag:s0], s1  }
0x180: {  	s1 =	ssub.s32 @!p0 $0x0, s1;
	[sflag:s0] =	ssyncset.done @!p0 $0x0  }
0x181: {  	[sflag:s0] =	ssyncadd.s32 @!p0 s1  }
0x182: {  	[bflag:$0x3] =	sbarrier.arrive $0xFFFF  }
0x183: {  	_ =	shalt  }

</sc_bundles>
